<compile_context>
chip_gen: v7x
topology: tpu7x:2x2x1
jax: 0.10.2.dev20260603
libtpu: 0.0.44.dev20260713+nightly
codegen_flags: <defaults>
</compile_context>

<pallas_src>
import functools

import jax
import jax.numpy as jnp
from jax import lax
from jax.experimental import pallas as pl
from jax.experimental.pallas import tpu as pltpu
from jax.experimental.pallas import tpu_sc as plsc

NC = 2
NS = 16
NW = NC * NS
K = 128


def _sc_agg_kernel(n_acc, feat, chunks):
    rpt = n_acc // NS

    mesh = plsc.VectorSubcoreMesh(core_axis_name="c", subcore_axis_name="s")

    HK = K // 2

    @functools.partial(
        pl.kernel,
        out_type=jax.ShapeDtypeStruct((NC, n_acc, feat), jnp.float32),
        mesh=mesh,
        scratch_types=[
            pltpu.VMEM((chunks, K), jnp.int32),
            pltpu.VMEM((chunks, K), jnp.int32),
            pltpu.VMEM((HK, feat), jnp.float32),
            pltpu.VMEM((HK, feat), jnp.float32),
            pltpu.VMEM_SHARED((n_acc, feat), jnp.float32),
            pltpu.SemaphoreType.DMA,
            pltpu.SemaphoreType.DMA,
        ])
    def agg(table_hbm, srcB_hbm, dstB_hbm, zf_hbm,
            pout_hbm, src_v, dst_v, ga, gb, acc_sh, sem_a, sem_b):
        c = lax.axis_index("c")
        s = lax.axis_index("s")
        wid = c * NS + s

        pltpu.sync_copy(zf_hbm.at[pl.ds(s * rpt, rpt)],
                        acc_sh.at[pl.ds(s * rpt, rpt)])
        pltpu.sync_copy(srcB_hbm.at[wid], src_v)
        pltpu.sync_copy(dstB_hbm.at[wid], dst_v)
        plsc.subcore_barrier()

        def sidx(i, h):
            return src_v.at[i, pl.ds(h * HK, HK)]

        def didx(i, h):
            return dst_v.at[i, pl.ds(h * HK, HK)]

        def start(i, h, buf, sem):
            pltpu.async_copy(table_hbm.at[sidx(i, h)], buf, sem)

        def wait(i, h, buf, sem):
            pltpu.make_async_copy(table_hbm.at[sidx(i, h)], buf, sem).wait()

        def scat(i, h, buf):
            pltpu.sync_copy(buf, acc_sh.at[didx(i, h)], add=True)

        start(0, 0, ga, sem_a)

        def step(i, carry):
            start(i, 1, gb, sem_b)
            wait(i, 0, ga, sem_a)
            scat(i, 0, ga)

            @pl.when(i + 1 < chunks)
            def _():
                start(i + 1, 0, ga, sem_a)

            wait(i, 1, gb, sem_b)
            scat(i, 1, gb)
            return carry

        lax.fori_loop(0, chunks, step, 0)
        plsc.subcore_barrier()

        pltpu.sync_copy(acc_sh.at[pl.ds(s * rpt, rpt)],
                        pout_hbm.at[c, pl.ds(s * rpt, rpt)])

    return agg


def _sc_cnt_kernel(n_acc, feat, chunks):
    rpt = n_acc // NS
    mesh = plsc.VectorSubcoreMesh(core_axis_name="c", subcore_axis_name="s")

    @functools.partial(
        pl.kernel,
        out_type=jax.ShapeDtypeStruct((NC, n_acc, feat), jnp.float32),
        mesh=mesh,
        scratch_types=[
            pltpu.VMEM((chunks, K), jnp.int32),
            pltpu.VMEM((K, feat), jnp.float32),
            pltpu.VMEM_SHARED((n_acc, feat), jnp.float32),
            pltpu.SemaphoreType.DMA,
            pltpu.SemaphoreType.DMA,
        ])
    def cntk(dstB_hbm, ones_hbm, zf_hbm, cnt_hbm, dst_v, ones_v, cnt_sh,
             sem_a, sem_b):
        c = lax.axis_index("c")
        s = lax.axis_index("s")
        wid = c * NS + s
        pltpu.sync_copy(zf_hbm.at[pl.ds(s * rpt, rpt)],
                        cnt_sh.at[pl.ds(s * rpt, rpt)])
        pltpu.sync_copy(dstB_hbm.at[wid], dst_v)
        pltpu.sync_copy(ones_hbm, ones_v)
        plsc.subcore_barrier()

        def start(j, sem):
            pltpu.async_copy(ones_v, cnt_sh.at[dst_v.at[j]], sem, add=True)

        def wait(j, sem):
            pltpu.make_async_copy(ones_v, cnt_sh.at[dst_v.at[j]], sem).wait()

        start(0, sem_a)

        def step(i, carry):
            j0 = 2 * i
            j1 = j0 + 1

            @pl.when(j1 < chunks)
            def _():
                start(j1, sem_b)

            wait(j0, sem_a)

            @pl.when(j0 + 2 < chunks)
            def _():
                start(j0 + 2, sem_a)

            @pl.when(j1 < chunks)
            def _():
                wait(j1, sem_b)

            return carry

        lax.fori_loop(0, (chunks + 1) // 2, step, 0)
        plsc.subcore_barrier()
        pltpu.sync_copy(cnt_sh.at[pl.ds(s * rpt, rpt)],
                        cnt_hbm.at[c, pl.ds(s * rpt, rpt)])

    return cntk


_DN = (((1,), (1,)), ((), ()))


def _tc_self(h, Wr, bl):
    n, feat = h.shape
    bn = 1000

    def body(h_ref, wr_ref, bl_ref, o_ref):
        o_ref[...] = lax.dot_general(
            h_ref[...], wr_ref[...], _DN,
            preferred_element_type=jnp.float32,
            precision=lax.Precision.HIGHEST) + bl_ref[...]

    return pl.pallas_call(
        body,
        grid=(n // bn,),
        in_specs=[
            pl.BlockSpec((bn, feat), lambda i: (i, 0)),
            pl.BlockSpec((feat, feat), lambda i: (0, 0)),
            pl.BlockSpec((1, feat), lambda i: (0, 0)),
        ],
        out_specs=pl.BlockSpec((bn, feat), lambda i: (i, 0)),
        out_shape=jax.ShapeDtypeStruct((n, feat), jnp.float32),
    )(h, Wr, bl)


def _tc_mix(p, cnt, selfterm, Wl, relu):
    n, feat = selfterm.shape
    bn = 1000

    def body(p_ref, cnt_ref, st_ref, wl_ref, o_ref):
        psum = p_ref[0] + p_ref[1]
        c = cnt_ref[0][:, 0:1] + cnt_ref[1][:, 0:1]
        mean = psum * (1.0 / jnp.maximum(c, 1.0))
        acc = lax.dot_general(mean, wl_ref[...], _DN,
                              preferred_element_type=jnp.float32,
                              precision=lax.Precision.HIGHEST)
        acc = acc + st_ref[...]
        o_ref[...] = jnp.maximum(acc, 0.0) if relu else acc

    return pl.pallas_call(
        body,
        grid=(n // bn,),
        in_specs=[
            pl.BlockSpec((NC, bn, feat), lambda i: (0, i, 0)),
            pl.BlockSpec((NC, bn, feat), lambda i: (0, i, 0)),
            pl.BlockSpec((bn, feat), lambda i: (i, 0)),
            pl.BlockSpec((feat, feat), lambda i: (0, 0)),
        ],
        out_specs=pl.BlockSpec((bn, feat), lambda i: (i, 0)),
        out_shape=jax.ShapeDtypeStruct((n, feat), jnp.float32),
    )(p, cnt, selfterm, Wl)


def kernel(x, edge_index, W1l, b1l, W1r, W2l, b2l, W2r):
    n, feat = x.shape
    e = edge_index.shape[1]
    pad_rows = NS
    n_acc = -(-(n + pad_rows) // (NS * 8)) * (NS * 8)

    chunks = -(-e // (NW * K))
    e_pad = NW * chunks * K
    src = edge_index[0].astype(jnp.int32)
    dst = edge_index[1].astype(jnp.int32)
    if e_pad != e:
        pidx = jnp.arange(e_pad - e, dtype=jnp.int32)
        src = jnp.concatenate([src, pidx % n])
        dst = jnp.concatenate([dst, n + pidx % pad_rows])
    srcB = src.reshape(NW, chunks, K)
    dstB = dst.reshape(NW, chunks, K)

    ones = jnp.ones((K, feat), jnp.float32)
    zf = jnp.zeros((n_acc, feat), jnp.float32)

    agg = _sc_agg_kernel(n_acc, feat, chunks)
    cntk = _sc_cnt_kernel(n_acc, feat, chunks)

    cnt = cntk(dstB, ones, zf)
    self1 = _tc_self(x, W1r, b1l.reshape(1, feat))
    p1 = agg(x, srcB, dstB, zf)
    h = _tc_mix(p1, cnt, self1, W1l, relu=True)
    self2 = _tc_self(h, W2r, b2l.reshape(1, feat))
    p2 = agg(h, srcB, dstB, zf)
    z = _tc_mix(p2, cnt, self2, W2l, relu=False)
    return z

# --- scband reference (transcript-rebuilt; emitter-appended) ---
"""Pipeline reference for scband-gnn-81441169866891 (READ-ONLY COPY).

The authoritative reference and input builder live on the scoring server;
editing this copy changes nothing except your own understanding.
"""

import jax, jax.numpy as jnp
import numpy as np

N = 10000
E = 320000
IN_C = 128
HID = 128


def setup_inputs(seed: int = 0) -> dict:
    key = jax.random.key(seed)
    ks = jax.random.split(key, 8)
    x = jax.random.normal(ks[0], (N, IN_C), dtype=jnp.float32)
    edge_index = jax.random.randint(ks[1], (2, E), 0, N)
    s_in = 1.0 / np.sqrt(IN_C)
    s_hid = 1.0 / np.sqrt(HID)
    W1l = jax.random.uniform(ks[2], (HID, IN_C), dtype=jnp.float32, minval=-s_in, maxval=s_in)
    b1l = jnp.zeros((HID,), dtype=jnp.float32)
    W1r = jax.random.uniform(ks[3], (HID, IN_C), dtype=jnp.float32, minval=-s_in, maxval=s_in)
    W2l = jax.random.uniform(ks[4], (HID, HID), dtype=jnp.float32, minval=-s_hid, maxval=s_hid)
    b2l = jnp.zeros((HID,), dtype=jnp.float32)
    W2r = jax.random.uniform(ks[5], (HID, HID), dtype=jnp.float32, minval=-s_hid, maxval=s_hid)
    return {"x": x, "edge_index": edge_index, "W1l": W1l, "b1l": b1l, "W1r": W1r, "W2l": W2l, "b2l": b2l, "W2r": W2r}


def _sage_conv(h, edge_index, Wl, bl, Wr):
    # PyG SAGEConv with mean aggregation:
    # out = lin_l(mean_{j in N(i)} x_j) + lin_r(x_i)
    src = edge_index[0]
    dst = edge_index[1]
    msg = h[src]  # gather source-node features per edge
    agg = jax.ops.segment_sum(msg, dst, num_segments=N)
    cnt = jax.ops.segment_sum(jnp.ones((msg.shape[0],), dtype=h.dtype), dst, num_segments=N)
    mean = agg / jnp.clip(cnt, 1.0)[:, None]
    return mean @ Wl.T + bl + h @ Wr.T


def reference(x, edge_index, W1l, b1l, W1r, W2l, b2l, W2r):
    # GNN.encode: conv1 -> relu -> conv2
    h = jax.nn.relu(_sage_conv(x, edge_index, W1l, b1l, W1r))
    z = _sage_conv(h, edge_index, W2l, b2l, W2r)
    return z

if __name__ == "__main__":
    import jax
    _d = setup_inputs()
    print(jax.jit(kernel)(*tuple(_d.values())))

</pallas_src>

<mosaic_0001>
#map = affine_map<(d0, d1) -> (0, 0)>
#map1 = affine_map<(d0, d1) -> (0, 0, 0)>
module attributes {stable_mosaic.version = 14 : i64} {
  func.func @agg(%arg0: i32, %arg1: i32, %arg2: memref<10000x128xf32, #tpu.memory_space<hbm>>, %arg3: memref<32x79x128xi32, #tpu.memory_space<hbm>>, %arg4: memref<32x79x128xi32, #tpu.memory_space<hbm>>, %arg5: memref<10112x128xf32, #tpu.memory_space<hbm>>, %arg6: memref<2x10112x128xf32, #tpu.memory_space<hbm>>, %arg7: memref<79x128xi32, #tpu.memory_space<vmem>>, %arg8: memref<79x128xi32, #tpu.memory_space<vmem>>, %arg9: memref<64x128xf32, #tpu.memory_space<vmem>>, %arg10: memref<64x128xf32, #tpu.memory_space<vmem>>, %arg11: memref<10112x128xf32, #tpu.memory_space<vmem_shared>>, %arg12: memref<!tpu.dma_semaphore, #tpu.memory_space<semaphore_mem>>, %arg13: memref<!tpu.dma_semaphore, #tpu.memory_space<semaphore_mem>>) attributes {dimension_semantics = [#tpu.dimension_semantics<core_parallel>, #tpu.dimension_semantics<subcore_parallel>], iteration_bounds = array<i64: 2, 16>, scalar_prefetch = 0 : i64, scratch_operands = 7 : i64, tpu.core_type = #tpu.core_type<sc_vector_subcore>, window_params = [{transform_indices = #map}, {transform_indices = #map1}, {transform_indices = #map1}, {transform_indices = #map}, {transform_indices = #map1}]} {
    %mul3A = arith.constant 16 : i32
    %mul3A_0 = arith.muli %arg0, %mul3A : i32
    %add3A = arith.addi %mul3A_0, %arg1 : i32
    %mul3A_1 = arith.constant 632 : i32
    %mul3A_2 = arith.muli %arg1, %mul3A_1 : i32
    %mul3A_3 = arith.constant 632 : i32
    %mul3A_4 = arith.muli %arg1, %mul3A_3 : i32
    "tpu.region"() ({
      %run_scoped3A = tpu.sem_alloc : memref<!tpu.dma_semaphore, #tpu.memory_space<semaphore_mem>>
      %dma_start3A_21 = arith.constant 0 : i32
      %dma_start3A_22 = tpu.memref_slice %arg11[%mul3A_4, %dma_start3A_21] : memref<10112x128xf32, #tpu.memory_space<vmem_shared>> -> memref<632x128xf32, #tpu.memory_space<vmem_shared>>
      %dma_start3A_23 = arith.constant 0 : i32
      %dma_start3A_24 = tpu.memref_slice %arg5[%mul3A_2, %dma_start3A_23] : memref<10112x128xf32, #tpu.memory_space<hbm>> -> memref<632x128xf32, #tpu.memory_space<hbm>>
      tpu.enqueue_dma source(%dma_start3A_24 : memref<632x128xf32, #tpu.memory_space<hbm>>) target(%dma_start3A_22 : memref<632x128xf32, #tpu.memory_space<vmem_shared>>) target_semaphore(%run_scoped3A : memref<!tpu.dma_semaphore, #tpu.memory_space<semaphore_mem>>)
      %dma_wait3A = arith.constant 0 : i32
      %dma_wait3A_25 = tpu.memref_slice %arg11[%mul3A_4, %dma_wait3A] : memref<10112x128xf32, #tpu.memory_space<vmem_shared>> -> memref<632x128xf32, #tpu.memory_space<vmem_shared>>
      %dma_wait3A_26 = arith.constant 0 : i32
      %dma_wait3A_27 = tpu.memref_slice %arg5[%mul3A_2, %dma_wait3A_26] : memref<10112x128xf32, #tpu.memory_space<hbm>> -> memref<632x128xf32, #tpu.memory_space<hbm>>
      tpu.wait_dma2 semaphore(%run_scoped3A : memref<!tpu.dma_semaphore, #tpu.memory_space<semaphore_mem>>) src(%dma_wait3A_27 : memref<632x128xf32, #tpu.memory_space<hbm>>) dst(%dma_wait3A_25 : memref<632x128xf32, #tpu.memory_space<vmem_shared>>)
      tpu.yield
    }) : () -> ()
    "tpu.region"() ({
      %run_scoped3A = tpu.sem_alloc : memref<!tpu.dma_semaphore, #tpu.memory_space<semaphore_mem>>
      %dma_start3A_21 = arith.constant 0 : i32
      %dma_start3A_22 = arith.constant 0 : i32
      %dma_start3A_23 = tpu.memref_slice %arg3[%add3A, %dma_start3A_21, %dma_start3A_22] : memref<32x79x128xi32, #tpu.memory_space<hbm>> -> memref<1x79x128xi32, #tpu.memory_space<hbm>>
      %dma_start3A_24 = tpu.memref_squeeze %dma_start3A_23 : memref<1x79x128xi32, #tpu.memory_space<hbm>> -> memref<79x128xi32, #tpu.memory_space<hbm>>
      %dma_start3A_25 = arith.constant 0 : i32
      %dma_start3A_26 = arith.constant 0 : i32
      %dma_start3A_27 = tpu.memref_slice %arg3[%add3A, %dma_start3A_25, %dma_start3A_26] : memref<32x79x128xi32, #tpu.memory_space<hbm>> -> memref<1x79x128xi32, #tpu.memory_space<hbm>>
      %dma_start3A_28 = tpu.memref_squeeze %dma_start3A_27 : memref<1x79x128xi32, #tpu.memory_space<hbm>> -> memref<79x128xi32, #tpu.memory_space<hbm>>
      tpu.enqueue_dma source(%dma_start3A_28 : memref<79x128xi32, #tpu.memory_space<hbm>>) target(%arg7 : memref<79x128xi32, #tpu.memory_space<vmem>>) target_semaphore(%run_scoped3A : memref<!tpu.dma_semaphore, #tpu.memory_space<semaphore_mem>>)
      %dma_wait3A = arith.constant 0 : i32
      %dma_wait3A_29 = arith.constant 0 : i32
      %dma_wait3A_30 = tpu.memref_slice %arg3[%add3A, %dma_wait3A, %dma_wait3A_29] : memref<32x79x128xi32, #tpu.memory_space<hbm>> -> memref<1x79x128xi32, #tpu.memory_space<hbm>>
      %dma_wait3A_31 = tpu.memref_squeeze %dma_wait3A_30 : memref<1x79x128xi32, #tpu.memory_space<hbm>> -> memref<79x128xi32, #tpu.memory_space<hbm>>
      %dma_wait3A_32 = arith.constant 0 : i32
      %dma_wait3A_33 = arith.constant 0 : i32
      %dma_wait3A_34 = tpu.memref_slice %arg3[%add3A, %dma_wait3A_32, %dma_wait3A_33] : memref<32x79x128xi32, #tpu.memory_space<hbm>> -> memref<1x79x128xi32, #tpu.memory_space<hbm>>
      %dma_wait3A_35 = tpu.memref_squeeze %dma_wait3A_34 : memref<1x79x128xi32, #tpu.memory_space<hbm>> -> memref<79x128xi32, #tpu.memory_space<hbm>>
      tpu.wait_dma2 semaphore(%run_scoped3A : memref<!tpu.dma_semaphore, #tpu.memory_space<semaphore_mem>>) src(%dma_wait3A_35 : memref<79x128xi32, #tpu.memory_space<hbm>>) dst(%arg7 : memref<79x128xi32, #tpu.memory_space<vmem>>)
      tpu.yield
    }) : () -> ()
    "tpu.region"() ({
      %run_scoped3A = tpu.sem_alloc : memref<!tpu.dma_semaphore, #tpu.memory_space<semaphore_mem>>
      %dma_start3A_21 = arith.constant 0 : i32
      %dma_start3A_22 = arith.constant 0 : i32
      %dma_start3A_23 = tpu.memref_slice %arg4[%add3A, %dma_start3A_21, %dma_start3A_22] : memref<32x79x128xi32, #tpu.memory_space<hbm>> -> memref<1x79x128xi32, #tpu.memory_space<hbm>>
      %dma_start3A_24 = tpu.memref_squeeze %dma_start3A_23 : memref<1x79x128xi32, #tpu.memory_space<hbm>> -> memref<79x128xi32, #tpu.memory_space<hbm>>
      %dma_start3A_25 = arith.constant 0 : i32
      %dma_start3A_26 = arith.constant 0 : i32
      %dma_start3A_27 = tpu.memref_slice %arg4[%add3A, %dma_start3A_25, %dma_start3A_26] : memref<32x79x128xi32, #tpu.memory_space<hbm>> -> memref<1x79x128xi32, #tpu.memory_space<hbm>>
      %dma_start3A_28 = tpu.memref_squeeze %dma_start3A_27 : memref<1x79x128xi32, #tpu.memory_space<hbm>> -> memref<79x128xi32, #tpu.memory_space<hbm>>
      tpu.enqueue_dma source(%dma_start3A_28 : memref<79x128xi32, #tpu.memory_space<hbm>>) target(%arg8 : memref<79x128xi32, #tpu.memory_space<vmem>>) target_semaphore(%run_scoped3A : memref<!tpu.dma_semaphore, #tpu.memory_space<semaphore_mem>>)
      %dma_wait3A = arith.constant 0 : i32
      %dma_wait3A_29 = arith.constant 0 : i32
      %dma_wait3A_30 = tpu.memref_slice %arg4[%add3A, %dma_wait3A, %dma_wait3A_29] : memref<32x79x128xi32, #tpu.memory_space<hbm>> -> memref<1x79x128xi32, #tpu.memory_space<hbm>>
      %dma_wait3A_31 = tpu.memref_squeeze %dma_wait3A_30 : memref<1x79x128xi32, #tpu.memory_space<hbm>> -> memref<79x128xi32, #tpu.memory_space<hbm>>
      %dma_wait3A_32 = arith.constant 0 : i32
      %dma_wait3A_33 = arith.constant 0 : i32
      %dma_wait3A_34 = tpu.memref_slice %arg4[%add3A, %dma_wait3A_32, %dma_wait3A_33] : memref<32x79x128xi32, #tpu.memory_space<hbm>> -> memref<1x79x128xi32, #tpu.memory_space<hbm>>
      %dma_wait3A_35 = tpu.memref_squeeze %dma_wait3A_34 : memref<1x79x128xi32, #tpu.memory_space<hbm>> -> memref<79x128xi32, #tpu.memory_space<hbm>>
      tpu.wait_dma2 semaphore(%run_scoped3A : memref<!tpu.dma_semaphore, #tpu.memory_space<semaphore_mem>>) src(%dma_wait3A_35 : memref<79x128xi32, #tpu.memory_space<hbm>>) dst(%arg8 : memref<79x128xi32, #tpu.memory_space<vmem>>)
      tpu.yield
    }) : () -> ()
    %barrier3A = arith.constant 0 : index
    tpu.barrier barrier_id(%barrier3A)
    %dma_start3A = arith.constant 0 : i32
    %dma_start3A_5 = arith.constant 0 : i32
    %dma_start3A_6 = tpu.memref_slice %arg7[%dma_start3A, %dma_start3A_5] : memref<79x128xi32, #tpu.memory_space<vmem>> -> memref<1x64xi32, #tpu.memory_space<vmem>>
    %dma_start3A_7 = tpu.memref_squeeze %dma_start3A_6 : memref<1x64xi32, #tpu.memory_space<vmem>> -> memref<64xi32, #tpu.memory_space<vmem>>
    %dma_start3A_8 = arith.constant 0 : i32
    %dma_start3A_9 = arith.constant 0 : i32
    %dma_start3A_10 = tpu.memref_slice %arg2[%dma_start3A_8, %dma_start3A_9] : memref<10000x128xf32, #tpu.memory_space<hbm>> -> memref<10000x128xf32, #tpu.memory_space<hbm>>
    tpu.enqueue_indirect_dma source(%dma_start3A_10 : memref<10000x128xf32, #tpu.memory_space<hbm>>) target(%arg9 : memref<64x128xf32, #tpu.memory_space<vmem>>) offsets(%dma_start3A_7 : memref<64xi32, #tpu.memory_space<vmem>>) semaphore(%arg12 : memref<!tpu.dma_semaphore, #tpu.memory_space<semaphore_mem>>)
    %scan3A = arith.constant 0 : i32
    %scan3A_11 = arith.constant 0 : i32
    %scan3A_12 = arith.constant 79 : i32
    %scan3A_13 = arith.addi %scan3A_11, %scan3A_12 : i32
    %scan3A_14 = arith.constant 1 : i32
    scf.for %scan3A_21 = %scan3A_11 to %scan3A_13 step %scan3A_14  : i32 {
      %dma_start3A_22 = arith.constant 64 : i32
      %dma_start3A_23 = tpu.memref_slice %arg7[%scan3A_21, %dma_start3A_22] : memref<79x128xi32, #tpu.memory_space<vmem>> -> memref<1x64xi32, #tpu.memory_space<vmem>>
      %dma_start3A_24 = tpu.memref_squeeze %dma_start3A_23 : memref<1x64xi32, #tpu.memory_space<vmem>> -> memref<64xi32, #tpu.memory_space<vmem>>
      %dma_start3A_25 = arith.constant 0 : i32
      %dma_start3A_26 = arith.constant 0 : i32
      %dma_start3A_27 = tpu.memref_slice %arg2[%dma_start3A_25, %dma_start3A_26] : memref<10000x128xf32, #tpu.memory_space<hbm>> -> memref<10000x128xf32, #tpu.memory_space<hbm>>
      tpu.enqueue_indirect_dma source(%dma_start3A_27 : memref<10000x128xf32, #tpu.memory_space<hbm>>) target(%arg10 : memref<64x128xf32, #tpu.memory_space<vmem>>) offsets(%dma_start3A_24 : memref<64xi32, #tpu.memory_space<vmem>>) semaphore(%arg13 : memref<!tpu.dma_semaphore, #tpu.memory_space<semaphore_mem>>)
      %dma_wait3A = arith.constant 0 : i32
      %dma_wait3A_28 = tpu.memref_slice %arg7[%scan3A_21, %dma_wait3A] : memref<79x128xi32, #tpu.memory_space<vmem>> -> memref<1x64xi32, #tpu.memory_space<vmem>>
      %dma_wait3A_29 = tpu.memref_squeeze %dma_wait3A_28 : memref<1x64xi32, #tpu.memory_space<vmem>> -> memref<64xi32, #tpu.memory_space<vmem>>
      %dma_wait3A_30 = arith.constant 0 : i32
      %dma_wait3A_31 = arith.constant 0 : i32
      %dma_wait3A_32 = tpu.memref_slice %arg2[%dma_wait3A_30, %dma_wait3A_31] : memref<10000x128xf32, #tpu.memory_space<hbm>> -> memref<10000x128xf32, #tpu.memory_space<hbm>>
      tpu.wait_indirect_dma semaphore(%arg12 : memref<!tpu.dma_semaphore, #tpu.memory_space<semaphore_mem>>) src(%dma_wait3A_32 : memref<10000x128xf32, #tpu.memory_space<hbm>>) dst(%arg9 : memref<64x128xf32, #tpu.memory_space<vmem>>)
      "tpu.region"() ({
        %run_scoped3A = tpu.sem_alloc : memref<!tpu.dma_semaphore, #tpu.memory_space<semaphore_mem>>
        %dma_start3A_43 = arith.constant 0 : i32
        %dma_start3A_44 = tpu.memref_slice %arg8[%scan3A_21, %dma_start3A_43] : memref<79x128xi32, #tpu.memory_space<vmem>> -> memref<1x64xi32, #tpu.memory_space<vmem>>
        %dma_start3A_45 = tpu.memref_squeeze %dma_start3A_44 : memref<1x64xi32, #tpu.memory_space<vmem>> -> memref<64xi32, #tpu.memory_space<vmem>>
        %dma_start3A_46 = arith.constant 0 : i32
        %dma_start3A_47 = arith.constant 0 : i32
        %dma_start3A_48 = tpu.memref_slice %arg11[%dma_start3A_46, %dma_start3A_47] : memref<10112x128xf32, #tpu.memory_space<vmem_shared>> -> memref<10112x128xf32, #tpu.memory_space<vmem_shared>>
        tpu.enqueue_indirect_dma source(%arg9 : memref<64x128xf32, #tpu.memory_space<vmem>>) target(%dma_start3A_48 : memref<10112x128xf32, #tpu.memory_space<vmem_shared>>) offsets(%dma_start3A_45 : memref<64xi32, #tpu.memory_space<vmem>>) semaphore(%run_scoped3A : memref<!tpu.dma_semaphore, #tpu.memory_space<semaphore_mem>>) {add = true}
        %dma_wait3A_49 = arith.constant 0 : i32
        %dma_wait3A_50 = tpu.memref_slice %arg8[%scan3A_21, %dma_wait3A_49] : memref<79x128xi32, #tpu.memory_space<vmem>> -> memref<1x64xi32, #tpu.memory_space<vmem>>
        %dma_wait3A_51 = tpu.memref_squeeze %dma_wait3A_50 : memref<1x64xi32, #tpu.memory_space<vmem>> -> memref<64xi32, #tpu.memory_space<vmem>>
        %dma_wait3A_52 = arith.constant 0 : i32
        %dma_wait3A_53 = arith.constant 0 : i32
        %dma_wait3A_54 = tpu.memref_slice %arg11[%dma_wait3A_52, %dma_wait3A_53] : memref<10112x128xf32, #tpu.memory_space<vmem_shared>> -> memref<10112x128xf32, #tpu.memory_space<vmem_shared>>
        tpu.wait_indirect_dma semaphore(%run_scoped3A : memref<!tpu.dma_semaphore, #tpu.memory_space<semaphore_mem>>) src(%arg9 : memref<64x128xf32, #tpu.memory_space<vmem>>) dst(%dma_wait3A_54 : memref<10112x128xf32, #tpu.memory_space<vmem_shared>>)
        tpu.yield
      }) : () -> ()
      %add3A_33 = arith.constant 1 : i32
      %add3A_34 = arith.addi %scan3A_21, %add3A_33 : i32
      %lt3A = arith.constant 79 : i32
      %lt3A_35 = arith.cmpi slt, %add3A_34, %lt3A : i32
      %convert_element_type3A = arith.extui %lt3A_35 : i1 to i32
      %cond3A = arith.constant 0 : i32
      %cond3A_36 = arith.cmpi ne, %convert_element_type3A, %cond3A : i32
      scf.if %cond3A_36 {
        %add3A_43 = arith.constant 1 : i32
        %add3A_44 = arith.addi %scan3A_21, %add3A_43 : i32
        %dma_start3A_45 = arith.constant 0 : i32
        %dma_start3A_46 = tpu.memref_slice %arg7[%add3A_44, %dma_start3A_45] : memref<79x128xi32, #tpu.memory_space<vmem>> -> memref<1x64xi32, #tpu.memory_space<vmem>>
        %dma_start3A_47 = tpu.memref_squeeze %dma_start3A_46 : memref<1x64xi32, #tpu.memory_space<vmem>> -> memref<64xi32, #tpu.memory_space<vmem>>
        %dma_start3A_48 = arith.constant 0 : i32
        %dma_start3A_49 = arith.constant 0 : i32
        %dma_start3A_50 = tpu.memref_slice %arg2[%dma_start3A_48, %dma_start3A_49] : memref<10000x128xf32, #tpu.memory_space<hbm>> -> memref<10000x128xf32, #tpu.memory_space<hbm>>
        tpu.enqueue_indirect_dma source(%dma_start3A_50 : memref<10000x128xf32, #tpu.memory_space<hbm>>) target(%arg9 : memref<64x128xf32, #tpu.memory_space<vmem>>) offsets(%dma_start3A_47 : memref<64xi32, #tpu.memory_space<vmem>>) semaphore(%arg12 : memref<!tpu.dma_semaphore, #tpu.memory_space<semaphore_mem>>)
      } else {
      }
      %dma_wait3A_37 = arith.constant 64 : i32
      %dma_wait3A_38 = tpu.memref_slice %arg7[%scan3A_21, %dma_wait3A_37] : memref<79x128xi32, #tpu.memory_space<vmem>> -> memref<1x64xi32, #tpu.memory_space<vmem>>
      %dma_wait3A_39 = tpu.memref_squeeze %dma_wait3A_38 : memref<1x64xi32, #tpu.memory_space<vmem>> -> memref<64xi32, #tpu.memory_space<vmem>>
      %dma_wait3A_40 = arith.constant 0 : i32
      %dma_wait3A_41 = arith.constant 0 : i32
      %dma_wait3A_42 = tpu.memref_slice %arg2[%dma_wait3A_40, %dma_wait3A_41] : memref<10000x128xf32, #tpu.memory_space<hbm>> -> memref<10000x128xf32, #tpu.memory_space<hbm>>
      tpu.wait_indirect_dma semaphore(%arg13 : memref<!tpu.dma_semaphore, #tpu.memory_space<semaphore_mem>>) src(%dma_wait3A_42 : memref<10000x128xf32, #tpu.memory_space<hbm>>) dst(%arg10 : memref<64x128xf32, #tpu.memory_space<vmem>>)
      "tpu.region"() ({
        %run_scoped3A = tpu.sem_alloc : memref<!tpu.dma_semaphore, #tpu.memory_space<semaphore_mem>>
        %dma_start3A_43 = arith.constant 64 : i32
        %dma_start3A_44 = tpu.memref_slice %arg8[%scan3A_21, %dma_start3A_43] : memref<79x128xi32, #tpu.memory_space<vmem>> -> memref<1x64xi32, #tpu.memory_space<vmem>>
        %dma_start3A_45 = tpu.memref_squeeze %dma_start3A_44 : memref<1x64xi32, #tpu.memory_space<vmem>> -> memref<64xi32, #tpu.memory_space<vmem>>
        %dma_start3A_46 = arith.constant 0 : i32
        %dma_start3A_47 = arith.constant 0 : i32
        %dma_start3A_48 = tpu.memref_slice %arg11[%dma_start3A_46, %dma_start3A_47] : memref<10112x128xf32, #tpu.memory_space<vmem_shared>> -> memref<10112x128xf32, #tpu.memory_space<vmem_shared>>
        tpu.enqueue_indirect_dma source(%arg10 : memref<64x128xf32, #tpu.memory_space<vmem>>) target(%dma_start3A_48 : memref<10112x128xf32, #tpu.memory_space<vmem_shared>>) offsets(%dma_start3A_45 : memref<64xi32, #tpu.memory_space<vmem>>) semaphore(%run_scoped3A : memref<!tpu.dma_semaphore, #tpu.memory_space<semaphore_mem>>) {add = true}
        %dma_wait3A_49 = arith.constant 64 : i32
        %dma_wait3A_50 = tpu.memref_slice %arg8[%scan3A_21, %dma_wait3A_49] : memref<79x128xi32, #tpu.memory_space<vmem>> -> memref<1x64xi32, #tpu.memory_space<vmem>>
        %dma_wait3A_51 = tpu.memref_squeeze %dma_wait3A_50 : memref<1x64xi32, #tpu.memory_space<vmem>> -> memref<64xi32, #tpu.memory_space<vmem>>
        %dma_wait3A_52 = arith.constant 0 : i32
        %dma_wait3A_53 = arith.constant 0 : i32
        %dma_wait3A_54 = tpu.memref_slice %arg11[%dma_wait3A_52, %dma_wait3A_53] : memref<10112x128xf32, #tpu.memory_space<vmem_shared>> -> memref<10112x128xf32, #tpu.memory_space<vmem_shared>>
        tpu.wait_indirect_dma semaphore(%run_scoped3A : memref<!tpu.dma_semaphore, #tpu.memory_space<semaphore_mem>>) src(%arg10 : memref<64x128xf32, #tpu.memory_space<vmem>>) dst(%dma_wait3A_54 : memref<10112x128xf32, #tpu.memory_space<vmem_shared>>)
        tpu.yield
      }) : () -> ()
    }
    %scan3A_15 = arith.constant 79 : i32
    %barrier3A_16 = arith.constant 0 : index
    tpu.barrier barrier_id(%barrier3A_16)
    %mul3A_17 = arith.constant 632 : i32
    %mul3A_18 = arith.muli %arg1, %mul3A_17 : i32
    %mul3A_19 = arith.constant 632 : i32
    %mul3A_20 = arith.muli %arg1, %mul3A_19 : i32
    "tpu.region"() ({
      %run_scoped3A = tpu.sem_alloc : memref<!tpu.dma_semaphore, #tpu.memory_space<semaphore_mem>>
      %dma_start3A_21 = arith.constant 0 : i32
      %dma_start3A_22 = tpu.memref_slice %arg6[%arg0, %mul3A_20, %dma_start3A_21] : memref<2x10112x128xf32, #tpu.memory_space<hbm>> -> memref<1x632x128xf32, #tpu.memory_space<hbm>>
      %dma_start3A_23 = tpu.memref_squeeze %dma_start3A_22 : memref<1x632x128xf32, #tpu.memory_space<hbm>> -> memref<632x128xf32, #tpu.memory_space<hbm>>
      %dma_start3A_24 = arith.constant 0 : i32
      %dma_start3A_25 = tpu.memref_slice %arg11[%mul3A_18, %dma_start3A_24] : memref<10112x128xf32, #tpu.memory_space<vmem_shared>> -> memref<632x128xf32, #tpu.memory_space<vmem_shared>>
      tpu.enqueue_dma source(%dma_start3A_25 : memref<632x128xf32, #tpu.memory_space<vmem_shared>>) target(%dma_start3A_23 : memref<632x128xf32, #tpu.memory_space<hbm>>) target_semaphore(%run_scoped3A : memref<!tpu.dma_semaphore, #tpu.memory_space<semaphore_mem>>)
      %dma_wait3A = arith.constant 0 : i32
      %dma_wait3A_26 = tpu.memref_slice %arg6[%arg0, %mul3A_20, %dma_wait3A] : memref<2x10112x128xf32, #tpu.memory_space<hbm>> -> memref<1x632x128xf32, #tpu.memory_space<hbm>>
      %dma_wait3A_27 = tpu.memref_squeeze %dma_wait3A_26 : memref<1x632x128xf32, #tpu.memory_space<hbm>> -> memref<632x128xf32, #tpu.memory_space<hbm>>
      %dma_wait3A_28 = arith.constant 0 : i32
      %dma_wait3A_29 = tpu.memref_slice %arg11[%mul3A_18, %dma_wait3A_28] : memref<10112x128xf32, #tpu.memory_space<vmem_shared>> -> memref<632x128xf32, #tpu.memory_space<vmem_shared>>
      tpu.wait_dma2 semaphore(%run_scoped3A : memref<!tpu.dma_semaphore, #tpu.memory_space<semaphore_mem>>) src(%dma_wait3A_29 : memref<632x128xf32, #tpu.memory_space<vmem_shared>>) dst(%dma_wait3A_27 : memref<632x128xf32, #tpu.memory_space<hbm>>)
      tpu.yield
    }) : () -> ()
    return
  }
}

#map = affine_map<(d0, d1) -> (0, 0)>
#map1 = affine_map<(d0, d1) -> (0, 0, 0)>
module attributes {stable_mosaic.version = 14 : i64} {
  func.func @agg(%arg0: i32, %arg1: i32, %arg2: memref<10000x128xf32, #tpu.memory_space<hbm>>, %arg3: memref<32x79x128xi32, #tpu.memory_space<hbm>>, %arg4: memref<32x79x128xi32, #tpu.memory_space<hbm>>, %arg5: memref<10112x128xf32, #tpu.memory_space<hbm>>, %arg6: memref<2x10112x128xf32, #tpu.memory_space<hbm>>, %arg7: memref<79x128xi32, #tpu.memory_space<vmem>>, %arg8: memref<79x128xi32, #tpu.memory_space<vmem>>, %arg9: memref<64x128xf32, #tpu.memory_space<vmem>>, %arg10: memref<64x128xf32, #tpu.memory_space<vmem>>, %arg11: memref<10112x128xf32, #tpu.memory_space<vmem_shared>>, %arg12: memref<!tpu.dma_semaphore, #tpu.memory_space<semaphore_mem>>, %arg13: memref<!tpu.dma_semaphore, #tpu.memory_space<semaphore_mem>>) attributes {dimension_semantics = [#tpu.dimension_semantics<core_parallel>, #tpu.dimension_semantics<subcore_parallel>], iteration_bounds = array<i64: 2, 16>, scalar_prefetch = 0 : i64, scratch_operands = 7 : i64, tpu.core_type = #tpu.core_type<sc_vector_subcore>, window_params = [{transform_indices = #map}, {transform_indices = #map1}, {transform_indices = #map1}, {transform_indices = #map}, {transform_indices = #map1}]} {
    %mul3A = arith.constant 16 : i32
    %mul3A_0 = arith.muli %arg0, %mul3A : i32
    %add3A = arith.addi %mul3A_0, %arg1 : i32
    %mul3A_1 = arith.constant 632 : i32
    %mul3A_2 = arith.muli %arg1, %mul3A_1 : i32
    %mul3A_3 = arith.constant 632 : i32
    %mul3A_4 = arith.muli %arg1, %mul3A_3 : i32
    "tpu.region"() ({
      %run_scoped3A = tpu.sem_alloc : memref<!tpu.dma_semaphore, #tpu.memory_space<semaphore_mem>>
      %dma_start3A_21 = arith.constant 0 : i32
      %dma_start3A_22 = tpu.memref_slice %arg11[%mul3A_4, %dma_start3A_21] : memref<10112x128xf32, #tpu.memory_space<vmem_shared>> -> memref<632x128xf32, #tpu.memory_space<vmem_shared>>
      %dma_start3A_23 = arith.constant 0 : i32
      %dma_start3A_24 = tpu.memref_slice %arg5[%mul3A_2, %dma_start3A_23] : memref<10112x128xf32, #tpu.memory_space<hbm>> -> memref<632x128xf32, #tpu.memory_space<hbm>>
      tpu.enqueue_dma source(%dma_start3A_24 : memref<632x128xf32, #tpu.memory_space<hbm>>) target(%dma_start3A_22 : memref<632x128xf32, #tpu.memory_space<vmem_shared>>) target_semaphore(%run_scoped3A : memref<!tpu.dma_semaphore, #tpu.memory_space<semaphore_mem>>)
      %dma_wait3A = arith.constant 0 : i32
      %dma_wait3A_25 = tpu.memref_slice %arg11[%mul3A_4, %dma_wait3A] : memref<10112x128xf32, #tpu.memory_space<vmem_shared>> -> memref<632x128xf32, #tpu.memory_space<vmem_shared>>
      %dma_wait3A_26 = arith.constant 0 : i32
      %dma_wait3A_27 = tpu.memref_slice %arg5[%mul3A_2, %dma_wait3A_26] : memref<10112x128xf32, #tpu.memory_space<hbm>> -> memref<632x128xf32, #tpu.memory_space<hbm>>
      tpu.wait_dma2 semaphore(%run_scoped3A : memref<!tpu.dma_semaphore, #tpu.memory_space<semaphore_mem>>) src(%dma_wait3A_27 : memref<632x128xf32, #tpu.memory_space<hbm>>) dst(%dma_wait3A_25 : memref<632x128xf32, #tpu.memory_space<vmem_shared>>)
      tpu.yield
    }) : () -> ()
    "tpu.region"() ({
      %run_scoped3A = tpu.sem_alloc : memref<!tpu.dma_semaphore, #tpu.memory_space<semaphore_mem>>
      %dma_start3A_21 = arith.constant 0 : i32
      %dma_start3A_22 = arith.constant 0 : i32
      %dma_start3A_23 = tpu.memref_slice %arg3[%add3A, %dma_start3A_21, %dma_start3A_22] : memref<32x79x128xi32, #tpu.memory_space<hbm>> -> memref<1x79x128xi32, #tpu.memory_space<hbm>>
      %dma_start3A_24 = tpu.memref_squeeze %dma_start3A_23 : memref<1x79x128xi32, #tpu.memory_space<hbm>> -> memref<79x128xi32, #tpu.memory_space<hbm>>
      %dma_start3A_25 = arith.constant 0 : i32
      %dma_start3A_26 = arith.constant 0 : i32
      %dma_start3A_27 = tpu.memref_slice %arg3[%add3A, %dma_start3A_25, %dma_start3A_26] : memref<32x79x128xi32, #tpu.memory_space<hbm>> -> memref<1x79x128xi32, #tpu.memory_space<hbm>>
      %dma_start3A_28 = tpu.memref_squeeze %dma_start3A_27 : memref<1x79x128xi32, #tpu.memory_space<hbm>> -> memref<79x128xi32, #tpu.memory_space<hbm>>
      tpu.enqueue_dma source(%dma_start3A_28 : memref<79x128xi32, #tpu.memory_space<hbm>>) target(%arg7 : memref<79x128xi32, #tpu.memory_space<vmem>>) target_semaphore(%run_scoped3A : memref<!tpu.dma_semaphore, #tpu.memory_space<semaphore_mem>>)
      %dma_wait3A = arith.constant 0 : i32
      %dma_wait3A_29 = arith.constant 0 : i32
      %dma_wait3A_30 = tpu.memref_slice %arg3[%add3A, %dma_wait3A, %dma_wait3A_29] : memref<32x79x128xi32, #tpu.memory_space<hbm>> -> memref<1x79x128xi32, #tpu.memory_space<hbm>>
      %dma_wait3A_31 = tpu.memref_squeeze %dma_wait3A_30 : memref<1x79x128xi32, #tpu.memory_space<hbm>> -> memref<79x128xi32, #tpu.memory_space<hbm>>
      %dma_wait3A_32 = arith.constant 0 : i32
      %dma_wait3A_33 = arith.constant 0 : i32
      %dma_wait3A_34 = tpu.memref_slice %arg3[%add3A, %dma_wait3A_32, %dma_wait3A_33] : memref<32x79x128xi32, #tpu.memory_space<hbm>> -> memref<1x79x128xi32, #tpu.memory_space<hbm>>
      %dma_wait3A_35 = tpu.memref_squeeze %dma_wait3A_34 : memref<1x79x128xi32, #tpu.memory_space<hbm>> -> memref<79x128xi32, #tpu.memory_space<hbm>>
      tpu.wait_dma2 semaphore(%run_scoped3A : memref<!tpu.dma_semaphore, #tpu.memory_space<semaphore_mem>>) src(%dma_wait3A_35 : memref<79x128xi32, #tpu.memory_space<hbm>>) dst(%arg7 : memref<79x128xi32, #tpu.memory_space<vmem>>)
      tpu.yield
    }) : () -> ()
    "tpu.region"() ({
      %run_scoped3A = tpu.sem_alloc : memref<!tpu.dma_semaphore, #tpu.memory_space<semaphore_mem>>
      %dma_start3A_21 = arith.constant 0 : i32
      %dma_start3A_22 = arith.constant 0 : i32
      %dma_start3A_23 = tpu.memref_slice %arg4[%add3A, %dma_start3A_21, %dma_start3A_22] : memref<32x79x128xi32, #tpu.memory_space<hbm>> -> memref<1x79x128xi32, #tpu.memory_space<hbm>>
      %dma_start3A_24 = tpu.memref_squeeze %dma_start3A_23 : memref<1x79x128xi32, #tpu.memory_space<hbm>> -> memref<79x128xi32, #tpu.memory_space<hbm>>
      %dma_start3A_25 = arith.constant 0 : i32
      %dma_start3A_26 = arith.constant 0 : i32
      %dma_start3A_27 = tpu.memref_slice %arg4[%add3A, %dma_start3A_25, %dma_start3A_26] : memref<32x79x128xi32, #tpu.memory_space<hbm>> -> memref<1x79x128xi32, #tpu.memory_space<hbm>>
      %dma_start3A_28 = tpu.memref_squeeze %dma_start3A_27 : memref<1x79x128xi32, #tpu.memory_space<hbm>> -> memref<79x128xi32, #tpu.memory_space<hbm>>
      tpu.enqueue_dma source(%dma_start3A_28 : memref<79x128xi32, #tpu.memory_space<hbm>>) target(%arg8 : memref<79x128xi32, #tpu.memory_space<vmem>>) target_semaphore(%run_scoped3A : memref<!tpu.dma_semaphore, #tpu.memory_space<semaphore_mem>>)
      %dma_wait3A = arith.constant 0 : i32
      %dma_wait3A_29 = arith.constant 0 : i32
      %dma_wait3A_30 = tpu.memref_slice %arg4[%add3A, %dma_wait3A, %dma_wait3A_29] : memref<32x79x128xi32, #tpu.memory_space<hbm>> -> memref<1x79x128xi32, #tpu.memory_space<hbm>>
      %dma_wait3A_31 = tpu.memref_squeeze %dma_wait3A_30 : memref<1x79x128xi32, #tpu.memory_space<hbm>> -> memref<79x128xi32, #tpu.memory_space<hbm>>
      %dma_wait3A_32 = arith.constant 0 : i32
      %dma_wait3A_33 = arith.constant 0 : i32
      %dma_wait3A_34 = tpu.memref_slice %arg4[%add3A, %dma_wait3A_32, %dma_wait3A_33] : memref<32x79x128xi32, #tpu.memory_space<hbm>> -> memref<1x79x128xi32, #tpu.memory_space<hbm>>
      %dma_wait3A_35 = tpu.memref_squeeze %dma_wait3A_34 : memref<1x79x128xi32, #tpu.memory_space<hbm>> -> memref<79x128xi32, #tpu.memory_space<hbm>>
      tpu.wait_dma2 semaphore(%run_scoped3A : memref<!tpu.dma_semaphore, #tpu.memory_space<semaphore_mem>>) src(%dma_wait3A_35 : memref<79x128xi32, #tpu.memory_space<hbm>>) dst(%arg8 : memref<79x128xi32, #tpu.memory_space<vmem>>)
      tpu.yield
    }) : () -> ()
    %barrier3A = arith.constant 0 : index
    tpu.barrier barrier_id(%barrier3A)
    %dma_start3A = arith.constant 0 : i32
    %dma_start3A_5 = arith.constant 0 : i32
    %dma_start3A_6 = tpu.memref_slice %arg7[%dma_start3A, %dma_start3A_5] : memref<79x128xi32, #tpu.memory_space<vmem>> -> memref<1x64xi32, #tpu.memory_space<vmem>>
    %dma_start3A_7 = tpu.memref_squeeze %dma_start3A_6 : memref<1x64xi32, #tpu.memory_space<vmem>> -> memref<64xi32, #tpu.memory_space<vmem>>
    %dma_start3A_8 = arith.constant 0 : i32
    %dma_start3A_9 = arith.constant 0 : i32
    %dma_start3A_10 = tpu.memref_slice %arg2[%dma_start3A_8, %dma_start3A_9] : memref<10000x128xf32, #tpu.memory_space<hbm>> -> memref<10000x128xf32, #tpu.memory_space<hbm>>
    tpu.enqueue_indirect_dma source(%dma_start3A_10 : memref<10000x128xf32, #tpu.memory_space<hbm>>) target(%arg9 : memref<64x128xf32, #tpu.memory_space<vmem>>) offsets(%dma_start3A_7 : memref<64xi32, #tpu.memory_space<vmem>>) semaphore(%arg12 : memref<!tpu.dma_semaphore, #tpu.memory_space<semaphore_mem>>)
    %scan3A = arith.constant 0 : i32
    %scan3A_11 = arith.constant 0 : i32
    %scan3A_12 = arith.constant 79 : i32
    %scan3A_13 = arith.addi %scan3A_11, %scan3A_12 : i32
    %scan3A_14 = arith.constant 1 : i32
    scf.for %scan3A_21 = %scan3A_11 to %scan3A_13 step %scan3A_14  : i32 {
      %dma_start3A_22 = arith.constant 64 : i32
      %dma_start3A_23 = tpu.memref_slice %arg7[%scan3A_21, %dma_start3A_22] : memref<79x128xi32, #tpu.memory_space<vmem>> -> memref<1x64xi32, #tpu.memory_space<vmem>>
      %dma_start3A_24 = tpu.memref_squeeze %dma_start3A_23 : memref<1x64xi32, #tpu.memory_space<vmem>> -> memref<64xi32, #tpu.memory_space<vmem>>
      %dma_start3A_25 = arith.constant 0 : i32
      %dma_start3A_26 = arith.constant 0 : i32
      %dma_start3A_27 = tpu.memref_slice %arg2[%dma_start3A_25, %dma_start3A_26] : memref<10000x128xf32, #tpu.memory_space<hbm>> -> memref<10000x128xf32, #tpu.memory_space<hbm>>
      tpu.enqueue_indirect_dma source(%dma_start3A_27 : memref<10000x128xf32, #tpu.memory_space<hbm>>) target(%arg10 : memref<64x128xf32, #tpu.memory_space<vmem>>) offsets(%dma_start3A_24 : memref<64xi32, #tpu.memory_space<vmem>>) semaphore(%arg13 : memref<!tpu.dma_semaphore, #tpu.memory_space<semaphore_mem>>)
      %dma_wait3A = arith.constant 0 : i32
      %dma_wait3A_28 = tpu.memref_slice %arg7[%scan3A_21, %dma_wait3A] : memref<79x128xi32, #tpu.memory_space<vmem>> -> memref<1x64xi32, #tpu.memory_space<vmem>>
      %dma_wait3A_29 = tpu.memref_squeeze %dma_wait3A_28 : memref<1x64xi32, #tpu.memory_space<vmem>> -> memref<64xi32, #tpu.memory_space<vmem>>
      %dma_wait3A_30 = arith.constant 0 : i32
      %dma_wait3A_31 = arith.constant 0 : i32
      %dma_wait3A_32 = tpu.memref_slice %arg2[%dma_wait3A_30, %dma_wait3A_31] : memref<10000x128xf32, #tpu.memory_space<hbm>> -> memref<10000x128xf32, #tpu.memory_space<hbm>>
      tpu.wait_indirect_dma semaphore(%arg12 : memref<!tpu.dma_semaphore, #tpu.memory_space<semaphore_mem>>) src(%dma_wait3A_32 : memref<10000x128xf32, #tpu.memory_space<hbm>>) dst(%arg9 : memref<64x128xf32, #tpu.memory_space<vmem>>)
      "tpu.region"() ({
        %run_scoped3A = tpu.sem_alloc : memref<!tpu.dma_semaphore, #tpu.memory_space<semaphore_mem>>
        %dma_start3A_43 = arith.constant 0 : i32
        %dma_start3A_44 = tpu.memref_slice %arg8[%scan3A_21, %dma_start3A_43] : memref<79x128xi32, #tpu.memory_space<vmem>> -> memref<1x64xi32, #tpu.memory_space<vmem>>
        %dma_start3A_45 = tpu.memref_squeeze %dma_start3A_44 : memref<1x64xi32, #tpu.memory_space<vmem>> -> memref<64xi32, #tpu.memory_space<vmem>>
        %dma_start3A_46 = arith.constant 0 : i32
        %dma_start3A_47 = arith.constant 0 : i32
        %dma_start3A_48 = tpu.memref_slice %arg11[%dma_start3A_46, %dma_start3A_47] : memref<10112x128xf32, #tpu.memory_space<vmem_shared>> -> memref<10112x128xf32, #tpu.memory_space<vmem_shared>>
        tpu.enqueue_indirect_dma source(%arg9 : memref<64x128xf32, #tpu.memory_space<vmem>>) target(%dma_start3A_48 : memref<10112x128xf32, #tpu.memory_space<vmem_shared>>) offsets(%dma_start3A_45 : memref<64xi32, #tpu.memory_space<vmem>>) semaphore(%run_scoped3A : memref<!tpu.dma_semaphore, #tpu.memory_space<semaphore_mem>>) {add = true}
        %dma_wait3A_49 = arith.constant 0 : i32
        %dma_wait3A_50 = tpu.memref_slice %arg8[%scan3A_21, %dma_wait3A_49] : memref<79x128xi32, #tpu.memory_space<vmem>> -> memref<1x64xi32, #tpu.memory_space<vmem>>
        %dma_wait3A_51 = tpu.memref_squeeze %dma_wait3A_50 : memref<1x64xi32, #tpu.memory_space<vmem>> -> memref<64xi32, #tpu.memory_space<vmem>>
        %dma_wait3A_52 = arith.constant 0 : i32
        %dma_wait3A_53 = arith.constant 0 : i32
        %dma_wait3A_54 = tpu.memref_slice %arg11[%dma_wait3A_52, %dma_wait3A_53] : memref<10112x128xf32, #tpu.memory_space<vmem_shared>> -> memref<10112x128xf32, #tpu.memory_space<vmem_shared>>
        tpu.wait_indirect_dma semaphore(%run_scoped3A : memref<!tpu.dma_semaphore, #tpu.memory_space<semaphore_mem>>) src(%arg9 : memref<64x128xf32, #tpu.memory_space<vmem>>) dst(%dma_wait3A_54 : memref<10112x128xf32, #tpu.memory_space<vmem_shared>>)
        tpu.yield
      }) : () -> ()
      %add3A_33 = arith.constant 1 : i32
      %add3A_34 = arith.addi %scan3A_21, %add3A_33 : i32
      %lt3A = arith.constant 79 : i32
      %lt3A_35 = arith.cmpi slt, %add3A_34, %lt3A : i32
      %convert_element_type3A = arith.extui %lt3A_35 : i1 to i32
      %cond3A = arith.constant 0 : i32
      %cond3A_36 = arith.cmpi ne, %convert_element_type3A, %cond3A : i32
      scf.if %cond3A_36 {
        %add3A_43 = arith.constant 1 : i32
        %add3A_44 = arith.addi %scan3A_21, %add3A_43 : i32
        %dma_start3A_45 = arith.constant 0 : i32
        %dma_start3A_46 = tpu.memref_slice %arg7[%add3A_44, %dma_start3A_45] : memref<79x128xi32, #tpu.memory_space<vmem>> -> memref<1x64xi32, #tpu.memory_space<vmem>>
        %dma_start3A_47 = tpu.memref_squeeze %dma_start3A_46 : memref<1x64xi32, #tpu.memory_space<vmem>> -> memref<64xi32, #tpu.memory_space<vmem>>
        %dma_start3A_48 = arith.constant 0 : i32
        %dma_start3A_49 = arith.constant 0 : i32
        %dma_start3A_50 = tpu.memref_slice %arg2[%dma_start3A_48, %dma_start3A_49] : memref<10000x128xf32, #tpu.memory_space<hbm>> -> memref<10000x128xf32, #tpu.memory_space<hbm>>
        tpu.enqueue_indirect_dma source(%dma_start3A_50 : memref<10000x128xf32, #tpu.memory_space<hbm>>) target(%arg9 : memref<64x128xf32, #tpu.memory_space<vmem>>) offsets(%dma_start3A_47 : memref<64xi32, #tpu.memory_space<vmem>>) semaphore(%arg12 : memref<!tpu.dma_semaphore, #tpu.memory_space<semaphore_mem>>)
      } else {
      }
      %dma_wait3A_37 = arith.constant 64 : i32
      %dma_wait3A_38 = tpu.memref_slice %arg7[%scan3A_21, %dma_wait3A_37] : memref<79x128xi32, #tpu.memory_space<vmem>> -> memref<1x64xi32, #tpu.memory_space<vmem>>
      %dma_wait3A_39 = tpu.memref_squeeze %dma_wait3A_38 : memref<1x64xi32, #tpu.memory_space<vmem>> -> memref<64xi32, #tpu.memory_space<vmem>>
      %dma_wait3A_40 = arith.constant 0 : i32
      %dma_wait3A_41 = arith.constant 0 : i32
      %dma_wait3A_42 = tpu.memref_slice %arg2[%dma_wait3A_40, %dma_wait3A_41] : memref<10000x128xf32, #tpu.memory_space<hbm>> -> memref<10000x128xf32, #tpu.memory_space<hbm>>
      tpu.wait_indirect_dma semaphore(%arg13 : memref<!tpu.dma_semaphore, #tpu.memory_space<semaphore_mem>>) src(%dma_wait3A_42 : memref<10000x128xf32, #tpu.memory_space<hbm>>) dst(%arg10 : memref<64x128xf32, #tpu.memory_space<vmem>>)
      "tpu.region"() ({
        %run_scoped3A = tpu.sem_alloc : memref<!tpu.dma_semaphore, #tpu.memory_space<semaphore_mem>>
        %dma_start3A_43 = arith.constant 64 : i32
        %dma_start3A_44 = tpu.memref_slice %arg8[%scan3A_21, %dma_start3A_43] : memref<79x128xi32, #tpu.memory_space<vmem>> -> memref<1x64xi32, #tpu.memory_space<vmem>>
        %dma_start3A_45 = tpu.memref_squeeze %dma_start3A_44 : memref<1x64xi32, #tpu.memory_space<vmem>> -> memref<64xi32, #tpu.memory_space<vmem>>
        %dma_start3A_46 = arith.constant 0 : i32
        %dma_start3A_47 = arith.constant 0 : i32
        %dma_start3A_48 = tpu.memref_slice %arg11[%dma_start3A_46, %dma_start3A_47] : memref<10112x128xf32, #tpu.memory_space<vmem_shared>> -> memref<10112x128xf32, #tpu.memory_space<vmem_shared>>
        tpu.enqueue_indirect_dma source(%arg10 : memref<64x128xf32, #tpu.memory_space<vmem>>) target(%dma_start3A_48 : memref<10112x128xf32, #tpu.memory_space<vmem_shared>>) offsets(%dma_start3A_45 : memref<64xi32, #tpu.memory_space<vmem>>) semaphore(%run_scoped3A : memref<!tpu.dma_semaphore, #tpu.memory_space<semaphore_mem>>) {add = true}
        %dma_wait3A_49 = arith.constant 64 : i32
        %dma_wait3A_50 = tpu.memref_slice %arg8[%scan3A_21, %dma_wait3A_49] : memref<79x128xi32, #tpu.memory_space<vmem>> -> memref<1x64xi32, #tpu.memory_space<vmem>>
        %dma_wait3A_51 = tpu.memref_squeeze %dma_wait3A_50 : memref<1x64xi32, #tpu.memory_space<vmem>> -> memref<64xi32, #tpu.memory_space<vmem>>
        %dma_wait3A_52 = arith.constant 0 : i32
        %dma_wait3A_53 = arith.constant 0 : i32
        %dma_wait3A_54 = tpu.memref_slice %arg11[%dma_wait3A_52, %dma_wait3A_53] : memref<10112x128xf32, #tpu.memory_space<vmem_shared>> -> memref<10112x128xf32, #tpu.memory_space<vmem_shared>>
        tpu.wait_indirect_dma semaphore(%run_scoped3A : memref<!tpu.dma_semaphore, #tpu.memory_space<semaphore_mem>>) src(%arg10 : memref<64x128xf32, #tpu.memory_space<vmem>>) dst(%dma_wait3A_54 : memref<10112x128xf32, #tpu.memory_space<vmem_shared>>)
        tpu.yield
      }) : () -> ()
    }
    %scan3A_15 = arith.constant 79 : i32
    %barrier3A_16 = arith.constant 0 : index
    tpu.barrier barrier_id(%barrier3A_16)
    %mul3A_17 = arith.constant 632 : i32
    %mul3A_18 = arith.muli %arg1, %mul3A_17 : i32
    %mul3A_19 = arith.constant 632 : i32
    %mul3A_20 = arith.muli %arg1, %mul3A_19 : i32
    "tpu.region"() ({
      %run_scoped3A = tpu.sem_alloc : memref<!tpu.dma_semaphore, #tpu.memory_space<semaphore_mem>>
      %dma_start3A_21 = arith.constant 0 : i32
      %dma_start3A_22 = tpu.memref_slice %arg6[%arg0, %mul3A_20, %dma_start3A_21] : memref<2x10112x128xf32, #tpu.memory_space<hbm>> -> memref<1x632x128xf32, #tpu.memory_space<hbm>>
      %dma_start3A_23 = tpu.memref_squeeze %dma_start3A_22 : memref<1x632x128xf32, #tpu.memory_space<hbm>> -> memref<632x128xf32, #tpu.memory_space<hbm>>
      %dma_start3A_24 = arith.constant 0 : i32
      %dma_start3A_25 = tpu.memref_slice %arg11[%mul3A_18, %dma_start3A_24] : memref<10112x128xf32, #tpu.memory_space<vmem_shared>> -> memref<632x128xf32, #tpu.memory_space<vmem_shared>>
      tpu.enqueue_dma source(%dma_start3A_25 : memref<632x128xf32, #tpu.memory_space<vmem_shared>>) target(%dma_start3A_23 : memref<632x128xf32, #tpu.memory_space<hbm>>) target_semaphore(%run_scoped3A : memref<!tpu.dma_semaphore, #tpu.memory_space<semaphore_mem>>)
      %dma_wait3A = arith.constant 0 : i32
      %dma_wait3A_26 = tpu.memref_slice %arg6[%arg0, %mul3A_20, %dma_wait3A] : memref<2x10112x128xf32, #tpu.memory_space<hbm>> -> memref<1x632x128xf32, #tpu.memory_space<hbm>>
      %dma_wait3A_27 = tpu.memref_squeeze %dma_wait3A_26 : memref<1x632x128xf32, #tpu.memory_space<hbm>> -> memref<632x128xf32, #tpu.memory_space<hbm>>
      %dma_wait3A_28 = arith.constant 0 : i32
      %dma_wait3A_29 = tpu.memref_slice %arg11[%mul3A_18, %dma_wait3A_28] : memref<10112x128xf32, #tpu.memory_space<vmem_shared>> -> memref<632x128xf32, #tpu.memory_space<vmem_shared>>
      tpu.wait_dma2 semaphore(%run_scoped3A : memref<!tpu.dma_semaphore, #tpu.memory_space<semaphore_mem>>) src(%dma_wait3A_29 : memref<632x128xf32, #tpu.memory_space<vmem_shared>>) dst(%dma_wait3A_27 : memref<632x128xf32, #tpu.memory_space<hbm>>)
      tpu.yield
    }) : () -> ()
    return
  }
}

#map = affine_map<(d0, d1) -> (0, 0, 0)>
#map1 = affine_map<(d0, d1) -> (0, 0)>
module attributes {stable_mosaic.version = 14 : i64} {
  func.func @cntk(%arg0: i32, %arg1: i32, %arg2: memref<32x79x128xi32, #tpu.memory_space<hbm>>, %arg3: memref<128x128xf32, #tpu.memory_space<hbm>>, %arg4: memref<10112x128xf32, #tpu.memory_space<hbm>>, %arg5: memref<2x10112x128xf32, #tpu.memory_space<hbm>>, %arg6: memref<79x128xi32, #tpu.memory_space<vmem>>, %arg7: memref<128x128xf32, #tpu.memory_space<vmem>>, %arg8: memref<10112x128xf32, #tpu.memory_space<vmem_shared>>, %arg9: memref<!tpu.dma_semaphore, #tpu.memory_space<semaphore_mem>>, %arg10: memref<!tpu.dma_semaphore, #tpu.memory_space<semaphore_mem>>) attributes {dimension_semantics = [#tpu.dimension_semantics<core_parallel>, #tpu.dimension_semantics<subcore_parallel>], iteration_bounds = array<i64: 2, 16>, scalar_prefetch = 0 : i64, scratch_operands = 5 : i64, tpu.core_type = #tpu.core_type<sc_vector_subcore>, window_params = [{transform_indices = #map}, {transform_indices = #map1}, {transform_indices = #map1}, {transform_indices = #map}]} {
    %mul3A = arith.constant 16 : i32
    %mul3A_0 = arith.muli %arg0, %mul3A : i32
    %add3A = arith.addi %mul3A_0, %arg1 : i32
    %mul3A_1 = arith.constant 632 : i32
    %mul3A_2 = arith.muli %arg1, %mul3A_1 : i32
    %mul3A_3 = arith.constant 632 : i32
    %mul3A_4 = arith.muli %arg1, %mul3A_3 : i32
    "tpu.region"() ({
      %run_scoped3A = tpu.sem_alloc : memref<!tpu.dma_semaphore, #tpu.memory_space<semaphore_mem>>
      %dma_start3A_21 = arith.constant 0 : i32
      %dma_start3A_22 = tpu.memref_slice %arg8[%mul3A_4, %dma_start3A_21] : memref<10112x128xf32, #tpu.memory_space<vmem_shared>> -> memref<632x128xf32, #tpu.memory_space<vmem_shared>>
      %dma_start3A_23 = arith.constant 0 : i32
      %dma_start3A_24 = tpu.memref_slice %arg4[%mul3A_2, %dma_start3A_23] : memref<10112x128xf32, #tpu.memory_space<hbm>> -> memref<632x128xf32, #tpu.memory_space<hbm>>
      tpu.enqueue_dma source(%dma_start3A_24 : memref<632x128xf32, #tpu.memory_space<hbm>>) target(%dma_start3A_22 : memref<632x128xf32, #tpu.memory_space<vmem_shared>>) target_semaphore(%run_scoped3A : memref<!tpu.dma_semaphore, #tpu.memory_space<semaphore_mem>>)
      %dma_wait3A = arith.constant 0 : i32
      %dma_wait3A_25 = tpu.memref_slice %arg8[%mul3A_4, %dma_wait3A] : memref<10112x128xf32, #tpu.memory_space<vmem_shared>> -> memref<632x128xf32, #tpu.memory_space<vmem_shared>>
      %dma_wait3A_26 = arith.constant 0 : i32
      %dma_wait3A_27 = tpu.memref_slice %arg4[%mul3A_2, %dma_wait3A_26] : memref<10112x128xf32, #tpu.memory_space<hbm>> -> memref<632x128xf32, #tpu.memory_space<hbm>>
      tpu.wait_dma2 semaphore(%run_scoped3A : memref<!tpu.dma_semaphore, #tpu.memory_space<semaphore_mem>>) src(%dma_wait3A_27 : memref<632x128xf32, #tpu.memory_space<hbm>>) dst(%dma_wait3A_25 : memref<632x128xf32, #tpu.memory_space<vmem_shared>>)
      tpu.yield
    }) : () -> ()
    "tpu.region"() ({
      %run_scoped3A = tpu.sem_alloc : memref<!tpu.dma_semaphore, #tpu.memory_space<semaphore_mem>>
      %dma_start3A_21 = arith.constant 0 : i32
      %dma_start3A_22 = arith.constant 0 : i32
      %dma_start3A_23 = tpu.memref_slice %arg2[%add3A, %dma_start3A_21, %dma_start3A_22] : memref<32x79x128xi32, #tpu.memory_space<hbm>> -> memref<1x79x128xi32, #tpu.memory_space<hbm>>
      %dma_start3A_24 = tpu.memref_squeeze %dma_start3A_23 : memref<1x79x128xi32, #tpu.memory_space<hbm>> -> memref<79x128xi32, #tpu.memory_space<hbm>>
      %dma_start3A_25 = arith.constant 0 : i32
      %dma_start3A_26 = arith.constant 0 : i32
      %dma_start3A_27 = tpu.memref_slice %arg2[%add3A, %dma_start3A_25, %dma_start3A_26] : memref<32x79x128xi32, #tpu.memory_space<hbm>> -> memref<1x79x128xi32, #tpu.memory_space<hbm>>
      %dma_start3A_28 = tpu.memref_squeeze %dma_start3A_27 : memref<1x79x128xi32, #tpu.memory_space<hbm>> -> memref<79x128xi32, #tpu.memory_space<hbm>>
      tpu.enqueue_dma source(%dma_start3A_28 : memref<79x128xi32, #tpu.memory_space<hbm>>) target(%arg6 : memref<79x128xi32, #tpu.memory_space<vmem>>) target_semaphore(%run_scoped3A : memref<!tpu.dma_semaphore, #tpu.memory_space<semaphore_mem>>)
      %dma_wait3A = arith.constant 0 : i32
      %dma_wait3A_29 = arith.constant 0 : i32
      %dma_wait3A_30 = tpu.memref_slice %arg2[%add3A, %dma_wait3A, %dma_wait3A_29] : memref<32x79x128xi32, #tpu.memory_space<hbm>> -> memref<1x79x128xi32, #tpu.memory_space<hbm>>
      %dma_wait3A_31 = tpu.memref_squeeze %dma_wait3A_30 : memref<1x79x128xi32, #tpu.memory_space<hbm>> -> memref<79x128xi32, #tpu.memory_space<hbm>>
      %dma_wait3A_32 = arith.constant 0 : i32
      %dma_wait3A_33 = arith.constant 0 : i32
      %dma_wait3A_34 = tpu.memref_slice %arg2[%add3A, %dma_wait3A_32, %dma_wait3A_33] : memref<32x79x128xi32, #tpu.memory_space<hbm>> -> memref<1x79x128xi32, #tpu.memory_space<hbm>>
      %dma_wait3A_35 = tpu.memref_squeeze %dma_wait3A_34 : memref<1x79x128xi32, #tpu.memory_space<hbm>> -> memref<79x128xi32, #tpu.memory_space<hbm>>
      tpu.wait_dma2 semaphore(%run_scoped3A : memref<!tpu.dma_semaphore, #tpu.memory_space<semaphore_mem>>) src(%dma_wait3A_35 : memref<79x128xi32, #tpu.memory_space<hbm>>) dst(%arg6 : memref<79x128xi32, #tpu.memory_space<vmem>>)
      tpu.yield
    }) : () -> ()
    "tpu.region"() ({
      %run_scoped3A = tpu.sem_alloc : memref<!tpu.dma_semaphore, #tpu.memory_space<semaphore_mem>>
      tpu.enqueue_dma source(%arg3 : memref<128x128xf32, #tpu.memory_space<hbm>>) target(%arg7 : memref<128x128xf32, #tpu.memory_space<vmem>>) target_semaphore(%run_scoped3A : memref<!tpu.dma_semaphore, #tpu.memory_space<semaphore_mem>>)
      tpu.wait_dma2 semaphore(%run_scoped3A : memref<!tpu.dma_semaphore, #tpu.memory_space<semaphore_mem>>) src(%arg3 : memref<128x128xf32, #tpu.memory_space<hbm>>) dst(%arg7 : memref<128x128xf32, #tpu.memory_space<vmem>>)
      tpu.yield
    }) : () -> ()
    %barrier3A = arith.constant 0 : index
    tpu.barrier barrier_id(%barrier3A)
    %dma_start3A = arith.constant 0 : i32
    %dma_start3A_5 = arith.constant 0 : i32
    %dma_start3A_6 = tpu.memref_slice %arg6[%dma_start3A, %dma_start3A_5] : memref<79x128xi32, #tpu.memory_space<vmem>> -> memref<1x128xi32, #tpu.memory_space<vmem>>
    %dma_start3A_7 = tpu.memref_squeeze %dma_start3A_6 : memref<1x128xi32, #tpu.memory_space<vmem>> -> memref<128xi32, #tpu.memory_space<vmem>>
    %dma_start3A_8 = arith.constant 0 : i32
    %dma_start3A_9 = arith.constant 0 : i32
    %dma_start3A_10 = tpu.memref_slice %arg8[%dma_start3A_8, %dma_start3A_9] : memref<10112x128xf32, #tpu.memory_space<vmem_shared>> -> memref<10112x128xf32, #tpu.memory_space<vmem_shared>>
    tpu.enqueue_indirect_dma source(%arg7 : memref<128x128xf32, #tpu.memory_space<vmem>>) target(%dma_start3A_10 : memref<10112x128xf32, #tpu.memory_space<vmem_shared>>) offsets(%dma_start3A_7 : memref<128xi32, #tpu.memory_space<vmem>>) semaphore(%arg9 : memref<!tpu.dma_semaphore, #tpu.memory_space<semaphore_mem>>) {add = true}
    %scan3A = arith.constant 0 : i32
    %scan3A_11 = arith.constant 0 : i32
    %scan3A_12 = arith.constant 40 : i32
    %scan3A_13 = arith.addi %scan3A_11, %scan3A_12 : i32
    %scan3A_14 = arith.constant 1 : i32
    scf.for %scan3A_21 = %scan3A_11 to %scan3A_13 step %scan3A_14  : i32 {
      %mul3A_22 = arith.constant 2 : i32
      %mul3A_23 = arith.muli %mul3A_22, %scan3A_21 : i32
      %add3A_24 = arith.constant 1 : i32
      %add3A_25 = arith.addi %mul3A_23, %add3A_24 : i32
      %lt3A = arith.constant 79 : i32
      %lt3A_26 = arith.cmpi slt, %add3A_25, %lt3A : i32
      %convert_element_type3A = arith.extui %lt3A_26 : i1 to i32
      %cond3A = arith.constant 0 : i32
      %cond3A_27 = arith.cmpi ne, %convert_element_type3A, %cond3A : i32
      scf.if %cond3A_27 {
        %dma_start3A_45 = arith.constant 0 : i32
        %dma_start3A_46 = tpu.memref_slice %arg6[%add3A_25, %dma_start3A_45] : memref<79x128xi32, #tpu.memory_space<vmem>> -> memref<1x128xi32, #tpu.memory_space<vmem>>
        %dma_start3A_47 = tpu.memref_squeeze %dma_start3A_46 : memref<1x128xi32, #tpu.memory_space<vmem>> -> memref<128xi32, #tpu.memory_space<vmem>>
        %dma_start3A_48 = arith.constant 0 : i32
        %dma_start3A_49 = arith.constant 0 : i32
        %dma_start3A_50 = tpu.memref_slice %arg8[%dma_start3A_48, %dma_start3A_49] : memref<10112x128xf32, #tpu.memory_space<vmem_shared>> -> memref<10112x128xf32, #tpu.memory_space<vmem_shared>>
        tpu.enqueue_indirect_dma source(%arg7 : memref<128x128xf32, #tpu.memory_space<vmem>>) target(%dma_start3A_50 : memref<10112x128xf32, #tpu.memory_space<vmem_shared>>) offsets(%dma_start3A_47 : memref<128xi32, #tpu.memory_space<vmem>>) semaphore(%arg10 : memref<!tpu.dma_semaphore, #tpu.memory_space<semaphore_mem>>) {add = true}
      } else {
      }
      %dma_wait3A = arith.constant 0 : i32
      %dma_wait3A_28 = tpu.memref_slice %arg6[%mul3A_23, %dma_wait3A] : memref<79x128xi32, #tpu.memory_space<vmem>> -> memref<1x128xi32, #tpu.memory_space<vmem>>
      %dma_wait3A_29 = tpu.memref_squeeze %dma_wait3A_28 : memref<1x128xi32, #tpu.memory_space<vmem>> -> memref<128xi32, #tpu.memory_space<vmem>>
      %dma_wait3A_30 = arith.constant 0 : i32
      %dma_wait3A_31 = arith.constant 0 : i32
      %dma_wait3A_32 = tpu.memref_slice %arg8[%dma_wait3A_30, %dma_wait3A_31] : memref<10112x128xf32, #tpu.memory_space<vmem_shared>> -> memref<10112x128xf32, #tpu.memory_space<vmem_shared>>
      tpu.wait_indirect_dma semaphore(%arg9 : memref<!tpu.dma_semaphore, #tpu.memory_space<semaphore_mem>>) src(%arg7 : memref<128x128xf32, #tpu.memory_space<vmem>>) dst(%dma_wait3A_32 : memref<10112x128xf32, #tpu.memory_space<vmem_shared>>)
      %add3A_33 = arith.constant 2 : i32
      %add3A_34 = arith.addi %mul3A_23, %add3A_33 : i32
      %lt3A_35 = arith.constant 79 : i32
      %lt3A_36 = arith.cmpi slt, %add3A_34, %lt3A_35 : i32
      %convert_element_type3A_37 = arith.extui %lt3A_36 : i1 to i32
      %cond3A_38 = arith.constant 0 : i32
      %cond3A_39 = arith.cmpi ne, %convert_element_type3A_37, %cond3A_38 : i32
      scf.if %cond3A_39 {
        %add3A_45 = arith.constant 2 : i32
        %add3A_46 = arith.addi %mul3A_23, %add3A_45 : i32
        %dma_start3A_47 = arith.constant 0 : i32
        %dma_start3A_48 = tpu.memref_slice %arg6[%add3A_46, %dma_start3A_47] : memref<79x128xi32, #tpu.memory_space<vmem>> -> memref<1x128xi32, #tpu.memory_space<vmem>>
        %dma_start3A_49 = tpu.memref_squeeze %dma_start3A_48 : memref<1x128xi32, #tpu.memory_space<vmem>> -> memref<128xi32, #tpu.memory_space<vmem>>
        %dma_start3A_50 = arith.constant 0 : i32
        %dma_start3A_51 = arith.constant 0 : i32
        %dma_start3A_52 = tpu.memref_slice %arg8[%dma_start3A_50, %dma_start3A_51] : memref<10112x128xf32, #tpu.memory_space<vmem_shared>> -> memref<10112x128xf32, #tpu.memory_space<vmem_shared>>
        tpu.enqueue_indirect_dma source(%arg7 : memref<128x128xf32, #tpu.memory_space<vmem>>) target(%dma_start3A_52 : memref<10112x128xf32, #tpu.memory_space<vmem_shared>>) offsets(%dma_start3A_49 : memref<128xi32, #tpu.memory_space<vmem>>) semaphore(%arg9 : memref<!tpu.dma_semaphore, #tpu.memory_space<semaphore_mem>>) {add = true}
      } else {
      }
      %lt3A_40 = arith.constant 79 : i32
      %lt3A_41 = arith.cmpi slt, %add3A_25, %lt3A_40 : i32
      %convert_element_type3A_42 = arith.extui %lt3A_41 : i1 to i32
      %cond3A_43 = arith.constant 0 : i32
      %cond3A_44 = arith.cmpi ne, %convert_element_type3A_42, %cond3A_43 : i32
      scf.if %cond3A_44 {
        %dma_wait3A_45 = arith.constant 0 : i32
        %dma_wait3A_46 = tpu.memref_slice %arg6[%add3A_25, %dma_wait3A_45] : memref<79x128xi32, #tpu.memory_space<vmem>> -> memref<1x128xi32, #tpu.memory_space<vmem>>
        %dma_wait3A_47 = tpu.memref_squeeze %dma_wait3A_46 : memref<1x128xi32, #tpu.memory_space<vmem>> -> memref<128xi32, #tpu.memory_space<vmem>>
        %dma_wait3A_48 = arith.constant 0 : i32
        %dma_wait3A_49 = arith.constant 0 : i32
        %dma_wait3A_50 = tpu.memref_slice %arg8[%dma_wait3A_48, %dma_wait3A_49] : memref<10112x128xf32, #tpu.memory_space<vmem_shared>> -> memref<10112x128xf32, #tpu.memory_space<vmem_shared>>
        tpu.wait_indirect_dma semaphore(%arg10 : memref<!tpu.dma_semaphore, #tpu.memory_space<semaphore_mem>>) src(%arg7 : memref<128x128xf32, #tpu.memory_space<vmem>>) dst(%dma_wait3A_50 : memref<10112x128xf32, #tpu.memory_space<vmem_shared>>)
      } else {
      }
    }
    %scan3A_15 = arith.constant 40 : i32
    %barrier3A_16 = arith.constant 0 : index
    tpu.barrier barrier_id(%barrier3A_16)
    %mul3A_17 = arith.constant 632 : i32
    %mul3A_18 = arith.muli %arg1, %mul3A_17 : i32
    %mul3A_19 = arith.constant 632 : i32
    %mul3A_20 = arith.muli %arg1, %mul3A_19 : i32
    "tpu.region"() ({
      %run_scoped3A = tpu.sem_alloc : memref<!tpu.dma_semaphore, #tpu.memory_space<semaphore_mem>>
      %dma_start3A_21 = arith.constant 0 : i32
      %dma_start3A_22 = tpu.memref_slice %arg5[%arg0, %mul3A_20, %dma_start3A_21] : memref<2x10112x128xf32, #tpu.memory_space<hbm>> -> memref<1x632x128xf32, #tpu.memory_space<hbm>>
      %dma_start3A_23 = tpu.memref_squeeze %dma_start3A_22 : memref<1x632x128xf32, #tpu.memory_space<hbm>> -> memref<632x128xf32, #tpu.memory_space<hbm>>
      %dma_start3A_24 = arith.constant 0 : i32
      %dma_start3A_25 = tpu.memref_slice %arg8[%mul3A_18, %dma_start3A_24] : memref<10112x128xf32, #tpu.memory_space<vmem_shared>> -> memref<632x128xf32, #tpu.memory_space<vmem_shared>>
      tpu.enqueue_dma source(%dma_start3A_25 : memref<632x128xf32, #tpu.memory_space<vmem_shared>>) target(%dma_start3A_23 : memref<632x128xf32, #tpu.memory_space<hbm>>) target_semaphore(%run_scoped3A : memref<!tpu.dma_semaphore, #tpu.memory_space<semaphore_mem>>)
      %dma_wait3A = arith.constant 0 : i32
      %dma_wait3A_26 = tpu.memref_slice %arg5[%arg0, %mul3A_20, %dma_wait3A] : memref<2x10112x128xf32, #tpu.memory_space<hbm>> -> memref<1x632x128xf32, #tpu.memory_space<hbm>>
      %dma_wait3A_27 = tpu.memref_squeeze %dma_wait3A_26 : memref<1x632x128xf32, #tpu.memory_space<hbm>> -> memref<632x128xf32, #tpu.memory_space<hbm>>
      %dma_wait3A_28 = arith.constant 0 : i32
      %dma_wait3A_29 = tpu.memref_slice %arg8[%mul3A_18, %dma_wait3A_28] : memref<10112x128xf32, #tpu.memory_space<vmem_shared>> -> memref<632x128xf32, #tpu.memory_space<vmem_shared>>
      tpu.wait_dma2 semaphore(%run_scoped3A : memref<!tpu.dma_semaphore, #tpu.memory_space<semaphore_mem>>) src(%dma_wait3A_29 : memref<632x128xf32, #tpu.memory_space<vmem_shared>>) dst(%dma_wait3A_27 : memref<632x128xf32, #tpu.memory_space<hbm>>)
      tpu.yield
    }) : () -> ()
    return
  }
}

module attributes {stable_mosaic.version = 14 : i64} {
  func.func @body(%arg0: i32, %arg1: memref<1000x128xf32, #tpu.memory_space<vmem>>, %arg2: memref<128x128xf32, #tpu.memory_space<vmem>>, %arg3: memref<1x128xf32, #tpu.memory_space<vmem>>, %arg4: memref<1000x128xf32, #tpu.memory_space<vmem>>) attributes {dimension_semantics = [#tpu.dimension_semantics<arbitrary>], iteration_bounds = array<i64: 10>, scalar_prefetch = 0 : i64, scratch_operands = 0 : i64, tpu.core_type = #tpu.core_type<tc>, window_params = [{transform_indices = @transform_0, window_bounds = array<i64: 1000, 128>}, {pipeline_mode = #tpu.pipeline_mode<synchronous>, transform_indices = @transform_1, window_bounds = array<i64: 128, 128>}, {pipeline_mode = #tpu.pipeline_mode<synchronous>, transform_indices = @transform_2, window_bounds = array<i64: 1, 128>}, {transform_indices = @transform_3, window_bounds = array<i64: 1000, 128>}]} {
    %get3A = arith.constant 0 : index
    %get3A_0 = arith.constant 0 : index
    %get3A_1 = vector.load %arg1[%get3A, %get3A_0] : memref<1000x128xf32, #tpu.memory_space<vmem>>, vector<1000x128xf32>
    %get3A_2 = arith.constant 0 : index
    %get3A_3 = arith.constant 0 : index
    %get3A_4 = vector.load %arg2[%get3A_2, %get3A_3] : memref<128x128xf32, #tpu.memory_space<vmem>>, vector<128x128xf32>
    %dot_general3A = arith.constant dense<0.000000e+00> : vector<1000x128xf32>
    %dot_general3A_5 = tpu.matmul %get3A_1, %get3A_4, %dot_general3A {dimension_numbers = #tpu.dot_dimension_numbers<[1], [1], [0], [0], [0, 0, 1, 0], [], []>, precision = #tpu.contract_precision<fp32>, transpose_lhs_hint = false} : vector<1000x128xf32>, vector<128x128xf32>, vector<1000x128xf32> -> vector<1000x128xf32>
    %get3A_6 = arith.constant 0 : index
    %get3A_7 = arith.constant 0 : index
    %get3A_8 = vector.load %arg3[%get3A_6, %get3A_7] : memref<1x128xf32, #tpu.memory_space<vmem>>, vector<1x128xf32>
    %add3A = vector.broadcast %get3A_8 : vector<1x128xf32> to vector<1000x128xf32>
    %add3A_9 = arith.addf %dot_general3A_5, %add3A : vector<1000x128xf32>
    %swap3A = arith.constant 0 : index
    %swap3A_10 = arith.constant 0 : index
    %swap3A_11 = vector.load %arg4[%swap3A, %swap3A_10] : memref<1000x128xf32, #tpu.memory_space<vmem>>, vector<1000x128xf32>
    tpu.vector_store %arg4[%swap3A, %swap3A_10], %add3A_9 {strides = array<i32>} : memref<1000x128xf32, #tpu.memory_space<vmem>>, vector<1000x128xf32>,
    return
  }
  func.func @transform_0(%arg0: i32) -> (i32, i32) {
    %c0_i32 = arith.constant 0 : i32
    %c0_i32_0 = arith.constant 0 : i32
    return %arg0, %c0_i32 : i32, i32
  }
  func.func @transform_1(%arg0: i32) -> (i32, i32) {
    %c0_i32 = arith.constant 0 : i32
    %c0_i32_0 = arith.constant 0 : i32
    %c0_i32_1 = arith.constant 0 : i32
    return %c0_i32, %c0_i32_0 : i32, i32
  }
  func.func @transform_2(%arg0: i32) -> (i32, i32) {
    %c0_i32 = arith.constant 0 : i32
    %c0_i32_0 = arith.constant 0 : i32
    %c0_i32_1 = arith.constant 0 : i32
    return %c0_i32, %c0_i32_0 : i32, i32
  }
  func.func @transform_3(%arg0: i32) -> (i32, i32) {
    %c0_i32 = arith.constant 0 : i32
    %c0_i32_0 = arith.constant 0 : i32
    return %arg0, %c0_i32 : i32, i32
  }
}

module attributes {stable_mosaic.version = 14 : i64} {
  func.func @body(%arg0: i32, %arg1: memref<2x1000x128xf32, #tpu.memory_space<vmem>>, %arg2: memref<2x1000x128xf32, #tpu.memory_space<vmem>>, %arg3: memref<1000x128xf32, #tpu.memory_space<vmem>>, %arg4: memref<128x128xf32, #tpu.memory_space<vmem>>, %arg5: memref<1000x128xf32, #tpu.memory_space<vmem>>) attributes {dimension_semantics = [#tpu.dimension_semantics<arbitrary>], iteration_bounds = array<i64: 10>, scalar_prefetch = 0 : i64, scratch_operands = 0 : i64, tpu.core_type = #tpu.core_type<tc>, window_params = [{transform_indices = @transform_0, window_bounds = array<i64: 2, 1000, 128>}, {transform_indices = @transform_1, window_bounds = array<i64: 2, 1000, 128>}, {transform_indices = @transform_2, window_bounds = array<i64: 1000, 128>}, {pipeline_mode = #tpu.pipeline_mode<synchronous>, transform_indices = @transform_3, window_bounds = array<i64: 128, 128>}, {transform_indices = @transform_4, window_bounds = array<i64: 1000, 128>}]} {
    %get3A = arith.constant 0 : index
    %get3A_0 = arith.constant 0 : index
    %get3A_1 = arith.constant 0 : index
    %get3A_2 = vector.load %arg1[%get3A, %get3A_0, %get3A_1] : memref<2x1000x128xf32, #tpu.memory_space<vmem>>, vector<1x1000x128xf32>
    %get3A_3 = vector.shape_cast %get3A_2 : vector<1x1000x128xf32> to vector<1000x128xf32>
    %get3A_4 = arith.constant 1 : index
    %get3A_5 = arith.constant 0 : index
    %get3A_6 = arith.constant 0 : index
    %get3A_7 = vector.load %arg1[%get3A_4, %get3A_5, %get3A_6] : memref<2x1000x128xf32, #tpu.memory_space<vmem>>, vector<1x1000x128xf32>
    %get3A_8 = vector.shape_cast %get3A_7 : vector<1x1000x128xf32> to vector<1000x128xf32>
    %add3A = arith.addf %get3A_3, %get3A_8 : vector<1000x128xf32>
    %get3A_9 = arith.constant 0 : index
    %get3A_10 = arith.constant 0 : index
    %get3A_11 = arith.constant 0 : index
    %get3A_12 = vector.load %arg2[%get3A_9, %get3A_10, %get3A_11] : memref<2x1000x128xf32, #tpu.memory_space<vmem>>, vector<1x1000x128xf32>
    %get3A_13 = vector.shape_cast %get3A_12 : vector<1x1000x128xf32> to vector<1000x128xf32>
    %slice3A = vector.extract_strided_slice %get3A_13 {offsets = [0, 0], sizes = [1000, 1], strides = [1, 1]} : vector<1000x128xf32> to vector<1000x1xf32>
    %get3A_14 = arith.constant 1 : index
    %get3A_15 = arith.constant 0 : index
    %get3A_16 = arith.constant 0 : index
    %get3A_17 = vector.load %arg2[%get3A_14, %get3A_15, %get3A_16] : memref<2x1000x128xf32, #tpu.memory_space<vmem>>, vector<1x1000x128xf32>
    %get3A_18 = vector.shape_cast %get3A_17 : vector<1x1000x128xf32> to vector<1000x128xf32>
    %slice3A_19 = vector.extract_strided_slice %get3A_18 {offsets = [0, 0], sizes = [1000, 1], strides = [1, 1]} : vector<1000x128xf32> to vector<1000x1xf32>
    %add3A_20 = arith.addf %slice3A, %slice3A_19 : vector<1000x1xf32>
    %max3A = arith.constant 1.000000e+00 : f32
    %max3A_21 = vector.broadcast %max3A : f32 to vector<1000x1xf32>
    %max3A_22 = arith.maximumf %add3A_20, %max3A_21 : vector<1000x1xf32>
    %div3A = arith.constant 1.000000e+00 : f32
    %div3A_23 = vector.broadcast %div3A : f32 to vector<1000x1xf32>
    %div3A_24 = arith.divf %div3A_23, %max3A_22 : vector<1000x1xf32>
    %mul3A = vector.broadcast %div3A_24 : vector<1000x1xf32> to vector<1000x128xf32>
    %mul3A_25 = arith.mulf %add3A, %mul3A : vector<1000x128xf32>
    %get3A_26 = arith.constant 0 : index
    %get3A_27 = arith.constant 0 : index
    %get3A_28 = vector.load %arg4[%get3A_26, %get3A_27] : memref<128x128xf32, #tpu.memory_space<vmem>>, vector<128x128xf32>
    %dot_general3A = arith.constant dense<0.000000e+00> : vector<1000x128xf32>
    %dot_general3A_29 = tpu.matmul %mul3A_25, %get3A_28, %dot_general3A {dimension_numbers = #tpu.dot_dimension_numbers<[1], [1], [0], [0], [0, 0, 1, 0], [], []>, precision = #tpu.contract_precision<fp32>, transpose_lhs_hint = false} : vector<1000x128xf32>, vector<128x128xf32>, vector<1000x128xf32> -> vector<1000x128xf32>
    %get3A_30 = arith.constant 0 : index
    %get3A_31 = arith.constant 0 : index
    %get3A_32 = vector.load %arg3[%get3A_30, %get3A_31] : memref<1000x128xf32, #tpu.memory_space<vmem>>, vector<1000x128xf32>
    %add3A_33 = arith.addf %dot_general3A_29, %get3A_32 : vector<1000x128xf32>
    %max3A_34 = arith.constant 0.000000e+00 : f32
    %max3A_35 = vector.broadcast %max3A_34 : f32 to vector<1000x128xf32>
    %max3A_36 = arith.maximumf %add3A_33, %max3A_35 : vector<1000x128xf32>
    %swap3A = arith.constant 0 : index
    %swap3A_37 = arith.constant 0 : index
    %swap3A_38 = vector.load %arg5[%swap3A, %swap3A_37] : memref<1000x128xf32, #tpu.memory_space<vmem>>, vector<1000x128xf32>
    tpu.vector_store %arg5[%swap3A, %swap3A_37], %max3A_36 {strides = array<i32>} : memref<1000x128xf32, #tpu.memory_space<vmem>>, vector<1000x128xf32>,
    return
  }
  func.func @transform_0(%arg0: i32) -> (i32, i32, i32) {
    %c0_i32 = arith.constant 0 : i32
    %c0_i32_0 = arith.constant 0 : i32
    %c0_i32_1 = arith.constant 0 : i32
    return %c0_i32, %arg0, %c0_i32_0 : i32, i32, i32
  }
  func.func @transform_1(%arg0: i32) -> (i32, i32, i32) {
    %c0_i32 = arith.constant 0 : i32
    %c0_i32_0 = arith.constant 0 : i32
    %c0_i32_1 = arith.constant 0 : i32
    return %c0_i32, %arg0, %c0_i32_0 : i32, i32, i32
  }
  func.func @transform_2(%arg0: i32) -> (i32, i32) {
    %c0_i32 = arith.constant 0 : i32
    %c0_i32_0 = arith.constant 0 : i32
    return %arg0, %c0_i32 : i32, i32
  }
  func.func @transform_3(%arg0: i32) -> (i32, i32) {
    %c0_i32 = arith.constant 0 : i32
    %c0_i32_0 = arith.constant 0 : i32
    %c0_i32_1 = arith.constant 0 : i32
    return %c0_i32, %c0_i32_0 : i32, i32
  }
  func.func @transform_4(%arg0: i32) -> (i32, i32) {
    %c0_i32 = arith.constant 0 : i32
    %c0_i32_0 = arith.constant 0 : i32
    return %arg0, %c0_i32 : i32, i32
  }
}

module attributes {stable_mosaic.version = 14 : i64} {
  func.func @body(%arg0: i32, %arg1: memref<2x1000x128xf32, #tpu.memory_space<vmem>>, %arg2: memref<2x1000x128xf32, #tpu.memory_space<vmem>>, %arg3: memref<1000x128xf32, #tpu.memory_space<vmem>>, %arg4: memref<128x128xf32, #tpu.memory_space<vmem>>, %arg5: memref<1000x128xf32, #tpu.memory_space<vmem>>) attributes {dimension_semantics = [#tpu.dimension_semantics<arbitrary>], iteration_bounds = array<i64: 10>, scalar_prefetch = 0 : i64, scratch_operands = 0 : i64, tpu.core_type = #tpu.core_type<tc>, window_params = [{transform_indices = @transform_0, window_bounds = array<i64: 2, 1000, 128>}, {transform_indices = @transform_1, window_bounds = array<i64: 2, 1000, 128>}, {transform_indices = @transform_2, window_bounds = array<i64: 1000, 128>}, {pipeline_mode = #tpu.pipeline_mode<synchronous>, transform_indices = @transform_3, window_bounds = array<i64: 128, 128>}, {transform_indices = @transform_4, window_bounds = array<i64: 1000, 128>}]} {
    %get3A = arith.constant 0 : index
    %get3A_0 = arith.constant 0 : index
    %get3A_1 = arith.constant 0 : index
    %get3A_2 = vector.load %arg1[%get3A, %get3A_0, %get3A_1] : memref<2x1000x128xf32, #tpu.memory_space<vmem>>, vector<1x1000x128xf32>
    %get3A_3 = vector.shape_cast %get3A_2 : vector<1x1000x128xf32> to vector<1000x128xf32>
    %get3A_4 = arith.constant 1 : index
    %get3A_5 = arith.constant 0 : index
    %get3A_6 = arith.constant 0 : index
    %get3A_7 = vector.load %arg1[%get3A_4, %get3A_5, %get3A_6] : memref<2x1000x128xf32, #tpu.memory_space<vmem>>, vector<1x1000x128xf32>
    %get3A_8 = vector.shape_cast %get3A_7 : vector<1x1000x128xf32> to vector<1000x128xf32>
    %add3A = arith.addf %get3A_3, %get3A_8 : vector<1000x128xf32>
    %get3A_9 = arith.constant 0 : index
    %get3A_10 = arith.constant 0 : index
    %get3A_11 = arith.constant 0 : index
    %get3A_12 = vector.load %arg2[%get3A_9, %get3A_10, %get3A_11] : memref<2x1000x128xf32, #tpu.memory_space<vmem>>, vector<1x1000x128xf32>
    %get3A_13 = vector.shape_cast %get3A_12 : vector<1x1000x128xf32> to vector<1000x128xf32>
    %slice3A = vector.extract_strided_slice %get3A_13 {offsets = [0, 0], sizes = [1000, 1], strides = [1, 1]} : vector<1000x128xf32> to vector<1000x1xf32>
    %get3A_14 = arith.constant 1 : index
    %get3A_15 = arith.constant 0 : index
    %get3A_16 = arith.constant 0 : index
    %get3A_17 = vector.load %arg2[%get3A_14, %get3A_15, %get3A_16] : memref<2x1000x128xf32, #tpu.memory_space<vmem>>, vector<1x1000x128xf32>
    %get3A_18 = vector.shape_cast %get3A_17 : vector<1x1000x128xf32> to vector<1000x128xf32>
    %slice3A_19 = vector.extract_strided_slice %get3A_18 {offsets = [0, 0], sizes = [1000, 1], strides = [1, 1]} : vector<1000x128xf32> to vector<1000x1xf32>
    %add3A_20 = arith.addf %slice3A, %slice3A_19 : vector<1000x1xf32>
    %max3A = arith.constant 1.000000e+00 : f32
    %max3A_21 = vector.broadcast %max3A : f32 to vector<1000x1xf32>
    %max3A_22 = arith.maximumf %add3A_20, %max3A_21 : vector<1000x1xf32>
    %div3A = arith.constant 1.000000e+00 : f32
    %div3A_23 = vector.broadcast %div3A : f32 to vector<1000x1xf32>
    %div3A_24 = arith.divf %div3A_23, %max3A_22 : vector<1000x1xf32>
    %mul3A = vector.broadcast %div3A_24 : vector<1000x1xf32> to vector<1000x128xf32>
    %mul3A_25 = arith.mulf %add3A, %mul3A : vector<1000x128xf32>
    %get3A_26 = arith.constant 0 : index
    %get3A_27 = arith.constant 0 : index
    %get3A_28 = vector.load %arg4[%get3A_26, %get3A_27] : memref<128x128xf32, #tpu.memory_space<vmem>>, vector<128x128xf32>
    %dot_general3A = arith.constant dense<0.000000e+00> : vector<1000x128xf32>
    %dot_general3A_29 = tpu.matmul %mul3A_25, %get3A_28, %dot_general3A {dimension_numbers = #tpu.dot_dimension_numbers<[1], [1], [0], [0], [0, 0, 1, 0], [], []>, precision = #tpu.contract_precision<fp32>, transpose_lhs_hint = false} : vector<1000x128xf32>, vector<128x128xf32>, vector<1000x128xf32> -> vector<1000x128xf32>
    %get3A_30 = arith.constant 0 : index
    %get3A_31 = arith.constant 0 : index
    %get3A_32 = vector.load %arg3[%get3A_30, %get3A_31] : memref<1000x128xf32, #tpu.memory_space<vmem>>, vector<1000x128xf32>
    %add3A_33 = arith.addf %dot_general3A_29, %get3A_32 : vector<1000x128xf32>
    %swap3A = arith.constant 0 : index
    %swap3A_34 = arith.constant 0 : index
    %swap3A_35 = vector.load %arg5[%swap3A, %swap3A_34] : memref<1000x128xf32, #tpu.memory_space<vmem>>, vector<1000x128xf32>
    tpu.vector_store %arg5[%swap3A, %swap3A_34], %add3A_33 {strides = array<i32>} : memref<1000x128xf32, #tpu.memory_space<vmem>>, vector<1000x128xf32>,
    return
  }
  func.func @transform_0(%arg0: i32) -> (i32, i32, i32) {
    %c0_i32 = arith.constant 0 : i32
    %c0_i32_0 = arith.constant 0 : i32
    %c0_i32_1 = arith.constant 0 : i32
    return %c0_i32, %arg0, %c0_i32_0 : i32, i32, i32
  }
  func.func @transform_1(%arg0: i32) -> (i32, i32, i32) {
    %c0_i32 = arith.constant 0 : i32
    %c0_i32_0 = arith.constant 0 : i32
    %c0_i32_1 = arith.constant 0 : i32
    return %c0_i32, %arg0, %c0_i32_0 : i32, i32, i32
  }
  func.func @transform_2(%arg0: i32) -> (i32, i32) {
    %c0_i32 = arith.constant 0 : i32
    %c0_i32_0 = arith.constant 0 : i32
    return %arg0, %c0_i32 : i32, i32
  }
  func.func @transform_3(%arg0: i32) -> (i32, i32) {
    %c0_i32 = arith.constant 0 : i32
    %c0_i32_0 = arith.constant 0 : i32
    %c0_i32_1 = arith.constant 0 : i32
    return %c0_i32, %c0_i32_0 : i32, i32
  }
  func.func @transform_4(%arg0: i32) -> (i32, i32) {
    %c0_i32 = arith.constant 0 : i32
    %c0_i32_0 = arith.constant 0 : i32
    return %arg0, %c0_i32 : i32, i32
  }
}

</mosaic_0001>

<sc_bundles>
// kernel: kernel.12.cloned.1.call-start
scs
__scs_entry_jumppad:
0x0: {  	(pc) =	sbr.rel $0x88, $3  }
0x1: {  	(tag) =	ssettag $0x0;
	lr =	simm.s32 $0x1  }
0x2: {  	[smem:$0x3F99] =	sst lr;
	_ =	strace $0xD0000000  }
0x3: {  	_ = 	snop  }
0x4: {  	_ = 	snop  }
0x5: {  	_ = 	snop  }
0x6: {  	_ = 	snop  }
0x7: {  	_ = 	snop  }
__scs_overlays_trampoline_lowered:
0x8: {  	[smem:$0x3FA8] =	sst s0  }
0x9: {  	[smem:$0x3FA9] =	sst s1  }
0xa: {  	[smem:$0x3FAA] =	sst s2  }
0xb: {  	[smem:$0x3FAB] =	sst s3  }
0xc: {  	[smem:$0x3FAC] =	sst s4  }
0xd: {  	[smem:$0x3FAD] =	sst s5  }
0xe: {  	[smem:$0x3FAE] =	sst s6  }
0xf: {  	[smem:$0x3FAF] =	sst s7  }
0x10: {  	[smem:$0x3FB0] =	sst s8  }
0x11: {  	[smem:$0x3FB1] =	sst s9;
	s0 =	simm.s32 @!p0 $0x0  }
0x12: {  	s1 =	sld [smem:$0x3F97];
	s0 =	simm.s32 @p0 $0x1  }
0x13: {  	[smem:$0x3FB2] =	sst s0;
	s0 =	simm.s32 @!p1 $0x0  }
0x14: {  	s2 =	sld [smem:$0x3F96];
	s0 =	simm.s32 @p1 $0x1  }
0x15: {  	[smem:$0x3FB3] =	sst s0;
	s0 =	simm.s32 @!p2 $0x0  }
0x16: {  	s3 =	sld [smem:$0x3FDB];
	s0 =	simm.s32 @p2 $0x1  }
0x17: {  	s4 =	simm.s32 $0x1BF5;
	[smem:$0x3FB5] =	sst s0  }
0x18: {  	s0 =	sld [smem:$0x3F98];
	_ =	swait.ge [sflag:s4], $0x0  }
0x19: {  	s7 =	sld [smem:$0x3F99]  }
0x1a: {  	s8 =	sadd.s32 $0xFFFFE003, lr  }
0x1b: {  	s9 =	sadd.s32 $0xFFFFFEF7, lr;
	s5 =	simm.s32 $0xFFFFFFFF;
	p2 =	slt.u32 s8, $0xFFFFF086  }
0x1c: {  	p1 =	slt.u32 s9, $0xF7A;
	s5 =	simm.s32 @!p2 $0x0  }
0x1d: {  	s5 =	simm.s32 @p1 $0x1;
	p0 =	seq.s32 s7, s2  }
0x1e: {  	s7 =	smul.u32 @!p0 $0xF7A, s2;
	p2 =	seq.s32 @!p0 s5, $0x0  }
0x1f: {  	s9 =	smul.u32 $0xF7A, s1;
	s8 =	simm.s32 @!p0 $0x1BF5;
	p2 =	por !p2, p0  }
0x20: {  	[sflag:s8] =	ssyncset.s32 @!p0 $0xFFFFF086;
	s6 =	sadd.s32 @!p0 s3, s7;
	s7 =	simm.s32 @!p0 $0x108  }
0x21: {  	s3 =	sadd.s32 s3, s9;
	s6 =	sadd.s32 @!p0 $0x88, s6;
	s7 =	simm.s32 @p2 $0x1082  }
0x22: {  	[simem:s7], [sflag:s8] =	dma.local @!p0 [hbm:s6], $0xF7A  }
0x23: {  	s9 =	sor.u32 $0xD0000000, s2;
	s6 =	simm.s32 $0x108;
	_ =	swait.ge @!p0 [sflag:s8], $0x0  }
0x24: {  	s3 =	sadd.s32 $0x88, s3;
	s6 =	simm.s32 @!p1 $0x1082;
	[sflag:s4] =	ssyncset.s32 $0xFFFFF086  }
0x25: {  	[simem:s6], [sflag:s4] =	dma.local [hbm:s3], $0xF7A  }
0x26: {  	[smem:$0x3F99] =	sst s1;
	(tag) =	ssettag s2;
	_ =	strace s9  }
0x27: {  	s1 =	sld [smem:$0x3FA9]  }
0x28: {  	s2 =	sld [smem:$0x3FAA]  }
0x29: {  	s4 =	sld [smem:$0x3FAC]  }
0x2a: {  	p0 =	seq.s32 s5, $0x0;
	s5 =	sld [smem:$0x3FAD]  }
0x2b: {  	s6 =	sld [smem:$0x3FAE]  }
0x2c: {  	s7 =	sld [smem:$0x3FAF]  }
0x2d: {  	s3 =	simm.s32 $0x108;
	s8 =	sld [smem:$0x3FB0]  }
0x2e: {  	s3 =	simm.s32 @!p0 $0x1082;
	s9 =	sld [smem:$0x3FB1]  }
0x2f: {  	lr =	sadd.s32 s0, s3;
	s0 =	sld [smem:$0x3FA8]  }
0x30: {  	s3 =	sld [smem:$0x3FAB]  }
0x31: {  	[smem:$0x3FB4] =	sst s10  }
0x32: {  	s10 =	sld [smem:$0x3FB2];
	_ =	sdelay $0x3  }
0x33: {  	p0 =	seq.s32 s10, $0x1;
	s10 =	sld [smem:$0x3FB4];
	_ =	sdelay $0x3  }
0x34: {  	[smem:$0x3FB4] =	sst s10  }
0x35: {  	s10 =	sld [smem:$0x3FB3];
	_ =	sdelay $0x3  }
0x36: {  	p1 =	seq.s32 s10, $0x1;
	s10 =	sld [smem:$0x3FB4];
	_ =	sdelay $0x3  }
0x37: {  	[smem:$0x3FB4] =	sst s10  }
0x38: {  	s10 =	sld [smem:$0x3FB5]  }
0x39: {  	_ = 	snop;
	(pc) =	sbr.ind lr, $3  }
0x3a: {  	_ = 	snop  }
0x3b: {  	_ = 	snop  }
0x3c: {  	p2 =	seq.s32 s10, $0x1;
	s10 =	sld [smem:$0x3FB4]  }
0x3d: {  	_ =	shalt  }
0x3e: {  	_ =	shalt  }
0x3f: {  	_ =	shalt  }
0x40: {  	_ =	shalt  }
0x41: {  	_ =	shalt  }
0x42: {  	_ =	shalt  }
0x43: {  	_ =	shalt  }
0x44: {  	_ =	shalt  }
0x45: {  	_ =	shalt  }
0x46: {  	_ =	shalt  }
0x47: {  	_ =	shalt  }
0x48: {  	_ =	shalt  }
0x49: {  	_ =	shalt  }
0x4a: {  	_ =	shalt  }
0x4b: {  	_ =	shalt  }
0x4c: {  	_ =	shalt  }
0x4d: {  	_ =	shalt  }
0x4e: {  	_ =	shalt  }
0x4f: {  	_ =	shalt  }
0x50: {  	_ =	shalt  }
0x51: {  	_ =	shalt  }
0x52: {  	_ =	shalt  }
0x53: {  	_ =	shalt  }
0x54: {  	_ =	shalt  }
0x55: {  	_ =	shalt  }
0x56: {  	_ =	shalt  }
0x57: {  	_ =	shalt  }
0x58: {  	_ =	shalt  }
0x59: {  	_ =	shalt  }
0x5a: {  	_ =	shalt  }
0x5b: {  	_ =	shalt  }
0x5c: {  	_ =	shalt  }
0x5d: {  	_ =	shalt  }
0x5e: {  	_ =	shalt  }
0x5f: {  	_ =	shalt  }
0x60: {  	_ =	shalt  }
0x61: {  	_ =	shalt  }
0x62: {  	_ =	shalt  }
0x63: {  	_ =	shalt  }
0x64: {  	_ =	shalt  }
0x65: {  	_ =	shalt  }
0x66: {  	_ =	shalt  }
0x67: {  	_ =	shalt  }
0x68: {  	_ =	shalt  }
0x69: {  	_ =	shalt  }
0x6a: {  	_ =	shalt  }
0x6b: {  	_ =	shalt  }
0x6c: {  	_ =	shalt  }
0x6d: {  	_ =	shalt  }
0x6e: {  	_ =	shalt  }
0x6f: {  	_ =	shalt  }
0x70: {  	_ =	shalt  }
0x71: {  	_ =	shalt  }
0x72: {  	_ =	shalt  }
0x73: {  	_ =	shalt  }
0x74: {  	_ =	shalt  }
0x75: {  	_ =	shalt  }
0x76: {  	_ =	shalt  }
0x77: {  	_ =	shalt  }
0x78: {  	_ =	shalt  }
0x79: {  	_ =	shalt  }
0x7a: {  	_ =	shalt  }
0x7b: {  	_ =	shalt  }
0x7c: {  	_ =	shalt  }
0x7d: {  	_ =	shalt  }
0x7e: {  	_ =	shalt  }
0x7f: {  	_ =	shalt  }
0x80: {  	_ =	shalt  }
0x81: {  	_ =	shalt  }
0x82: {  	_ =	shalt  }
0x83: {  	_ =	shalt  }
0x84: {  	_ =	shalt  }
0x85: {  	_ =	shalt  }
0x86: {  	_ =	shalt  }
0x87: {  	_ =	shalt  }
.Lfunc_end0:
.L_simem_size_0:
called_computation.1_lowered:
.L_overlay_start_0:
0x88: {  	s2 =	sld [smem:$0x3FD9]  }
0x89: {  	s3 =	sld [smem:$0x3FFE];
	_ =	sdelay $0x1  }
0x8a: {  	s1 =	srdreg.scid  }
0x8b: {  	s0 =	sand.u32 $0x1, s1  }
0x8c: {  	s17 =	sshll.u32 s0, $0xA;
	s2 =	sadd.s32 s3, s2  }
0x8d: {  	s2 =	sadd.s32 s2, s17  }
0x8e: {  	[smem:$0x3FC0] =	sst s2  }
0x8f: {  	_ = 	snop  }
0x90: {  	s2 =	sld [smem:$0x3FC9];
	(tm) =	ssettm $0x1  }
0x91: {  	s18 =	sld [smem:$0x3FFB];
	_ =	sdelay $0x3  }
0x92: {  	_ =	strace s18  }
0x93: {  	s3 =	sld [smem:$0x3FFC];
	_ =	sdelay $0x3  }
0x94: {  	_ =	strace s3  }
0x95: {  	s3 =	sld [smem:$0x3FFD];
	_ =	sdelay $0x3  }
0x96: {  	_ =	strace s3  }
0x97: {  	_ =	strace $0x8FFFFFFF  }
0x98: {  	s19 =	sld [smem:$0x3FDB];
	_ =	sdelay $0x1  }
0x99: {  	s4 =	simm.s32 $_scs_section_size  }
0x9a: {  	s5 =	simm.s32 $_size__tile_overlayer_lowered;
	s6 =	simm.s32 $_tile_overlayer_lowered  }
0x9b: {  	s22 =	simm.s32 $0x1BFF;
	s21 =	sshll.u32 s6, $0x1;
	s3 =	sadd.s32 s4, s19  }
0x9c: {  	s7 =	simm.s32 $0x0;
	s20 =	sshll.u32 s5, $0x1;
	s5 =	sadd.s32 s21, s3  }
0x9d: {  	[timem:s7], [sflag:s22] =	dma.local [hbm:s5], s20  }
0x9e: {  	_ =	swait.ge [sflag:s22], s20  }
0x9f: {  	s4 =	ssub.s32 $0x0, s20;
	[sflag:s22] =	ssyncset.done $0x0  }
0xa0: {  	[sflag:s22] =	ssyncadd.s32 s4;
	_ =	sdelay $0x1  }
0xa1: {  	s23 =	simm.s32 $0x1B8B  }
0xa2: {  	_ =	swait.ge [sflag:s23], $0x1  }
0xa3: {  	[sflag:s23] =	ssyncset.done $0x0  }
0xa4: {  	s25 =	simm.s32 $0x1B8E;
	s24 =	sld [smem:$0x3FFE];
	[sflag:s23] =	ssyncadd.s32 $0xFFFFFFFF  }
0xa5: {  	s26 =	simm.s32 $execute0_lowered;
	[smem:$0x3FD2] =	sst s25  }
0xa6: {  	s5 =	sshll.u32 s26, $0x1;
	_ =	strace $0x80000046;
	[dreg:$0x1] =	wrdreg $0xFFFFFFFF  }
0xa7: {  	s28 =	simm.s32 $_size_execute0_lowered;
	s3 =	sadd.s32 s3, s5;
	[dreg:$0x0] =	wrdreg $0x0  }
0xa8: {  	s5 =	sshll.u32 s28, $0x1;
	[dreg:$0x2] =	wrdreg s3  }
0xa9: {  	[dreg:$0x3] =	wrdreg s5  }
0xaa: {  	[dreg:$0x4] =	wrdreg $0xC0  }
0xab: {  	_ =	task [dreg:s7], $0x5FFFF  }
0xac: {  	[dreg:$0x1] =	wrdreg $0xFFFFFFFF  }
0xad: {  	[dreg:$0x0] =	wrdreg $0x60  }
0xae: {  	[dreg:$0x2] =	wrdreg s2  }
0xaf: {  	[dreg:$0x3] =	wrdreg s24  }
0xb0: {  	[dreg:$0x4] =	wrdreg $0x90000  }
0xb1: {  	[dreg:$0x5] =	wrdreg $0xA  }
0xb2: {  	_ =	task.clear_ibuf [dreg:s7], $0x6FFFF;
	_ =	strace $0x90000046  }
0xb3: {  	s29 =	simm.s32 $0xA;
	_ =	strace $0x80000048  }
0xb4: {  	_ =	swait.ge [sflag:s29], $0x1  }
0xb5: {  	[sflag:s29] =	ssyncadd.s32 $0xFFFFFFFF  }
0xb6: {  	_ =	strace $0x90000048  }
0xb7: {  	_ =	sfence  }
0xb8: {  	s30 =	sld [smem:$0x0];
	_ =	sdelay $0x2  }
0xb9: {  	s31 =	sshll.u32 s1, $0xD;
	s1 =	sshrl.u32 s1, $0x2  }
0xba: {  	s3 =	sand.u32 $0x4000, s31;
	s1 =	sadd.s32 s1, s30  }
0xbb: {  	s0 =	sor.u32 s3, s0;
	s1 =	sshll.u32 s1, $0x11  }
0xbc: {  	s0 =	sor.u32 s1, s0  }
0xbd: {  	s0 =	sadd.s32 $0x8F2B, s0  }
0xbe: {  	[sflag:s0] =	ssyncadd.remote.s32 $0x1  }
0xbf: {  	_ =	sfence.sel $0xFFFF  }
0xc0: {  	[dreg:$0x0] =	wrdreg $0xFFFFFFFF;
	(pc) =	sbr.abs _section_cstart, $3  }
0xc1: {  	[dreg:$0x1] =	wrdreg $0xFFFFFFFF  }
0xc2: {  	_ =	task.clear_ibuf [dreg:s7], $0x2FFFF;
	_ =	strace $0x9FFFFFFF  }
0xc3: {  	(tm) =	ssettm $0x7FFFFFFF  }
tec
execute0_lowered:
.L_overlay_start_1:
0x0: {  	(tag) =	ssettag $0x1  }
0x1: {  	s1 =	rddreg [dreg:$0x0]  }
0x2: {  	s6 =	rddreg [dreg:$0x1]  }
0x3: {  	s0 =	srdreg.scid;
	s3 =	rddreg [dreg:$0x2]  }
0x4: {  	s4 =	simm.s32 $0x0;
	s14 =	simm.s32 $0x40;
	s15 =	simm.s32 $0x5000  }
0x5: {  	s16 =	simm.s32 $0x7000;
	s17 =	simm.s32 $0x1;
	s18 =	simm.s32 $0x2  }
0x6: {  	s19 =	simm.s32 $0x2740;
	s5 =	sand.u32 $0x1, s0;
	s0 =	stileid.u32  }
0x7: {  	s20 =	simm.s32 $0x4F00;
	s21 =	simm.s32 $0x4F40;
	s8 =	smul.u32 $0x13C00, s0  }
0x8: {  	s22 =	simm.s32 $0x0;
	[smem:$0x7FF] =	sst s4;
	s9 =	smul.u32 $0x13C000, s5  }
0x9: {  	s2 =	sshll.u32 s5, $0x4;
	s28 =	smul.u32 $0x4F000, s0;
	s5 =	ssub.s32 $0x2, s5  }
0xa: {  	s31 =	sshll.u32 s0, $0x6;
	s2 =	sor.u32 s0, s2;
	s29 =	sshrl.u32 s5, $0x1  }
0xb: {  	s7 =	smul.u32 $0x500, s2;
	s2 =	rddreg [dreg:$0x3];
	_ =	strace $0x80000047  }
0xc: {  	s26 =	sshrl.u32 s8, $0x3;
	s8 =	sadd.s32 s8, s9;
	s30 =	sshrl.u32 s28, $0x2  }
0xd: {  	s12 =	ssub.s32 s5, s29;
	s8 =	sshrl.u32 s8, $0x3;
	s13 =	sadd.s32 s30, s3  }
0xe: {  	s10 =	sadd.s32 s7, s6;
	s7 =	sadd.s32 s26, s6;
	s11 =	sadd.s32 s8, s6  }
0xf: {  	s6 =	sor.u32 $0x1C03, s31;
	s5 =	sadd.s32 $0x16200, s7;
	s7 =	sadd.s32 $0xC200, s10  }
0x10: {  	s8 =	sadd.s32 $0x2200, s10;
	s9 =	sadd.s32 $0x3DA00, s11;
	s10 =	smax.u32 s12, $0x1  }
0x11: {  	s11 =	sshrl.u32 s13, $0x3;
	s12 =	simm.s32 $0x3;
	s13 =	simm.s32 $0x2800  }
.LBB2_1:
0x12: {  	[spmem:s11], [sflag:s6] =	dma.local [hbm:s5], $0x2780  }
0x13: {  	_ =	swait.ge [sflag:s12], $0x2780  }
0x14: {  	[sflag:s12] =	ssyncset.done $0x0  }
0x15: {  	[sflag:s12] =	ssyncadd.s32 $0xFFFFD880  }
0x16: {  	[tilespmem:s4], [sflag:$0x3] =	stream.linear.gather [hbm4b:s7+s4], $0x2780, $0x38;
	[tilespmem:$0x1CC00] =	vst v63  }
0x17: {  	_ =	swait.ge [sflag:s12], $0x2780  }
0x18: {  	[sflag:s12] =	ssyncset.done $0x0  }
0x19: {  	[sflag:s12] =	ssyncadd.s32 $0xFFFFD880  }
0x1a: {  	[tilespmem:s13], [sflag:$0x3] =	stream.linear.gather [hbm4b:s8+s4], $0x2780, $0x38;
	[tilespmem:$0x1CC00] =	vst v63  }
0x1b: {  	_ =	swait.ge [sflag:s12], $0x2780  }
0x1c: {  	[sflag:s12] =	ssyncset.done $0x0  }
0x1d: {  	[sflag:s12] =	ssyncadd.s32 $0xFFFFD880  }
0x1e: {  	[bflag:$0x0] =	sbarrier.arrive $0xFFFF  }
0x1f: {  	[tilespmem:s15], [sflag:$0x1] =	stream.indirect.gather [hbm4b:s1+s14], $0x80, s4, s14, $0xb8;
	[tilespmem:$0x1CC00] =	vst v63  }
0x20: {  	s23 =	simm.s32 $0x40  }
0x21: {  	[tilespmem:s16], [sflag:$0x2] =	stream.indirect.gather [hbm4b:s1+s14], $0x80, s23, s14, $0xb8;
	[tilespmem:$0x1CC00] =	vst v63  }
0x22: {  	_ =	swait.ge [sflag:s17], $0x2000  }
0x23: {  	[sflag:s17] =	ssyncset.done $0x0  }
0x24: {  	s29 =	simm.s32 $0x2800;
	[sflag:s17] =	ssyncadd.s32 $0xFFFFE000  }
0x25: {  	[spmem:s3] =	stream.indirect.scatter.add.f32 [tilespmem:s15], [sflag:$0x3], $0x80, s29, s14, $0xb8;
	[tilespmem:$0x1CC00] =	vst v63  }
0x26: {  	_ =	swait.ge [sflag:s12], $0x2000  }
0x27: {  	[sflag:s12] =	ssyncset.done $0x0  }
0x28: {  	s30 =	simm.s32 $0x80;
	[sflag:s12] =	ssyncadd.s32 $0xFFFFE000  }
0x29: {  	[tilespmem:s15], [sflag:$0x1] =	stream.indirect.gather [hbm4b:s1+s14], $0x80, s30, s14, $0xb8;
	[tilespmem:$0x1CC00] =	vst v63  }
0x2a: {  	_ =	swait.ge [sflag:s18], $0x2000  }
0x2b: {  	[sflag:s18] =	ssyncset.done $0x0  }
0x2c: {  	s31 =	simm.s32 $0x2840;
	[sflag:s18] =	ssyncadd.s32 $0xFFFFE000  }
0x2d: {  	[spmem:s3] =	stream.indirect.scatter.add.f32 [tilespmem:s16], [sflag:$0x3], $0x80, s31, s14, $0xb8;
	[tilespmem:$0x1CC00] =	vst v63  }
0x2e: {  	_ =	swait.ge [sflag:s12], $0x2000  }
0x2f: {  	s24 =	simm.s32 $0x400;
	s23 =	simm.s32 $0x80;
	[sflag:s12] =	ssyncset.done $0x0  }
.LBB2_2:
0x30: {  	s25 =	sadd.s32 $0x40, s23  }
0x31: {  	[sflag:s12] =	ssyncadd.s32 $0xFFFFE000;
	s26 =	smov.u32 s24;
	s28 =	sadd.s32 $0x200, s24  }
0x32: {  	[tilespmem:s16], [sflag:$0x2] =	stream.indirect.gather [hbm4b:s1+s14], $0x80, s25, s14, $0xb8;
	[tilespmem:$0x1CC00] =	vst v63  }
0x33: {  	p0 =	sne.s32 s24, $0x9A00;
	_ =	swait.ge [sflag:s17], $0x2000  }
0x34: {  	[sflag:s17] =	ssyncset.done $0x0  }
0x35: {  	s24 =	sadd.s32 $0x2800, s23;
	[sflag:s17] =	ssyncadd.s32 $0xFFFFE000  }
0x36: {  	[spmem:s3] =	stream.indirect.scatter.add.f32 [tilespmem:s15], [sflag:$0x3], $0x80, s24, s14, $0xb8;
	[tilespmem:$0x1CC00] =	vst v63  }
0x37: {  	_ =	swait.ge [sflag:s12], $0x2000  }
0x38: {  	[sflag:s12] =	ssyncset.done $0x0  }
0x39: {  	s24 =	sadd.s32 $0x80, s23;
	[sflag:s12] =	ssyncadd.s32 $0xFFFFE000  }
0x3a: {  	[tilespmem:s15], [sflag:$0x1] =	stream.indirect.gather [hbm4b:s1+s14], $0x80, s24, s14, $0xb8;
	[tilespmem:$0x1CC00] =	vst v63  }
0x3b: {  	_ =	swait.ge [sflag:s18], $0x2000  }
.Ltmp0:
0x3c: {  	[sflag:s18] =	ssyncset.done $0x0;
	(pc) =	sbr.rel @p0 .LBB2_2-.Ltmp0, $4  }
0x3d: {  	s23 =	sadd.s32 $0x2840, s23;
	[sflag:s18] =	ssyncadd.s32 $0xFFFFE000  }
0x3e: {  	[spmem:s3] =	stream.indirect.scatter.add.f32 [tilespmem:s16], [sflag:$0x3], $0x80, s23, s14, $0xb8;
	[tilespmem:$0x1CC00] =	vst v63  }
0x3f: {  	_ =	swait.ge [sflag:s12], $0x2000  }
0x40: {  	s24 =	smov.u32 s28;
	s23 =	sshra.s32 s26, $0x2;
	[sflag:s12] =	ssyncset.done $0x0  }
0x41: {  	s24 =	sadd.s32 $0x40, s23;
	[sflag:s12] =	ssyncadd.s32 $0xFFFFE000  }
0x42: {  	[tilespmem:s16], [sflag:$0x2] =	stream.indirect.gather [hbm4b:s1+s14], $0x80, s24, s14, $0xb8;
	[tilespmem:$0x1CC00] =	vst v63  }
0x43: {  	_ =	swait.ge [sflag:s17], $0x2000  }
0x44: {  	[sflag:s17] =	ssyncset.done $0x0  }
0x45: {  	s29 =	sadd.s32 $0x2800, s23;
	[sflag:s17] =	ssyncadd.s32 $0xFFFFE000  }
0x46: {  	[spmem:s3] =	stream.indirect.scatter.add.f32 [tilespmem:s15], [sflag:$0x3], $0x80, s29, s14, $0xb8;
	[tilespmem:$0x1CC00] =	vst v63  }
0x47: {  	_ =	swait.ge [sflag:s12], $0x2000  }
0x48: {  	[sflag:s12] =	ssyncset.done $0x0  }
0x49: {  	s30 =	sadd.s32 $0x80, s23;
	[sflag:s12] =	ssyncadd.s32 $0xFFFFE000  }
0x4a: {  	[tilespmem:s15], [sflag:$0x1] =	stream.indirect.gather [hbm4b:s1+s14], $0x80, s30, s14, $0xb8;
	[tilespmem:$0x1CC00] =	vst v63  }
0x4b: {  	_ =	swait.ge [sflag:s18], $0x2000  }
0x4c: {  	[sflag:s18] =	ssyncset.done $0x0  }
0x4d: {  	s31 =	sadd.s32 $0x2840, s23;
	[sflag:s18] =	ssyncadd.s32 $0xFFFFE000  }
0x4e: {  	[spmem:s3] =	stream.indirect.scatter.add.f32 [tilespmem:s16], [sflag:$0x3], $0x80, s31, s14, $0xb8;
	[tilespmem:$0x1CC00] =	vst v63  }
0x4f: {  	_ =	swait.ge [sflag:s12], $0x2000  }
0x50: {  	[sflag:s12] =	ssyncset.done $0x0  }
0x51: {  	[sflag:s12] =	ssyncadd.s32 $0xFFFFE000  }
0x52: {  	[tilespmem:s16], [sflag:$0x2] =	stream.indirect.gather [hbm4b:s1+s14], $0x80, s19, s14, $0xb8;
	[tilespmem:$0x1CC00] =	vst v63  }
0x53: {  	_ =	swait.ge [sflag:s17], $0x2000  }
0x54: {  	[sflag:s17] =	ssyncset.done $0x0  }
0x55: {  	[sflag:s17] =	ssyncadd.s32 $0xFFFFE000  }
0x56: {  	[spmem:s3] =	stream.indirect.scatter.add.f32 [tilespmem:s15], [sflag:$0x3], $0x80, s20, s14, $0xb8;
	[tilespmem:$0x1CC00] =	vst v63  }
0x57: {  	_ =	swait.ge [sflag:s12], $0x2000  }
0x58: {  	[sflag:s12] =	ssyncset.done $0x0  }
0x59: {  	[sflag:s12] =	ssyncadd.s32 $0xFFFFE000  }
0x5a: {  	_ =	swait.ge [sflag:s18], $0x2000  }
0x5b: {  	[sflag:s18] =	ssyncset.done $0x0  }
0x5c: {  	[sflag:s18] =	ssyncadd.s32 $0xFFFFE000  }
0x5d: {  	[spmem:s3] =	stream.indirect.scatter.add.f32 [tilespmem:s16], [sflag:$0x3], $0x80, s21, s14, $0xb8;
	[tilespmem:$0x1CC00] =	vst v63  }
0x5e: {  	_ =	swait.ge [sflag:s12], $0x2000  }
0x5f: {  	s22 =	sadd.s32 $0x1, s22;
	[sflag:s12] =	ssyncset.done $0x0  }
0x60: {  	p0 =	sne.s32 s22, s10;
	[sflag:s12] =	ssyncadd.s32 $0xFFFFE000  }
.Ltmp1:
0x61: {  	[bflag:$0x0] =	sbarrier.arrive $0xFFFF;
	(pc) =	sbr.rel @p0 .LBB2_1-.Ltmp1, $4  }
0x62: {  	[hbm:s9], [sflag:s6] =	dma.local [spmem:s11], $0x2780  }
0x63: {  	_ =	swait.ge [sflag:s12], $0x2780  }
0x64: {  	[sflag:s12] =	ssyncset.done $0x0  }
0x65: {  	[sflag:s12] =	ssyncadd.s32 $0xFFFFD880  }
0x66: {  	_ =	sfence.sel $0x180000  }
0x67: {  	[bflag:$0x0] =	sbarrier.arrive $0xFFFF  }
0x68: {  	p0 =	sne.s32 s0, $0x0;
	_ =	strace $0x90000047  }
0x69: {  	s0 =	sadd.s32 @!p0 $0x100000, s2;
	[bflag:$0x2] =	sbarrier.arrive $0xFFFF  }
0x6a: {  	[sflag:s0] =	ssyncadd.tile.s32 @!p0 $0x1;
	_ =	shalt  }
.Lfunc_end2:
_tile_overlayer_lowered:
.L_overlay_start_2:
0x6b: {  	(tag) =	ssettag $0x2  }
0x6c: {  	s0 =	rddreg [dreg:$0x0];
	s2 =	stileid.u32  }
0x6d: {  	s1 =	rddreg [dreg:$0x1];
	p0 =	sne.s32 s2, $0x0  }
0x6e: {  	s3 =	rddreg [dreg:$0x2];
	[bflag:$0x3] =	sbarrier.arrive $0xFFFF;
	s2 =	simm.s32 @!p0 $0x1C03  }
0x6f: {  	[timem:s3], [sflag:s2] =	dma.local @!p0 [hbm:s0], s1  }
0x70: {  	s0 =	simm.s32 @!p0 $0x3  }
0x71: {  	_ =	swait.ge @!p0 [sflag:s0], s1  }
0x72: {  	s1 =	ssub.s32 @!p0 $0x0, s1;
	[sflag:s0] =	ssyncset.done @!p0 $0x0  }
0x73: {  	[sflag:s0] =	ssyncadd.s32 @!p0 s1  }
0x74: {  	[bflag:$0x3] =	sbarrier.arrive $0xFFFF  }
0x75: {  	_ =	shalt  }

// kernel: kernel.15.cloned.1.call-start
scs
__scs_entry_jumppad:
0x0: {  	(pc) =	sbr.rel $0x88, $3  }
0x1: {  	(tag) =	ssettag $0x0;
	lr =	simm.s32 $0x1  }
0x2: {  	[smem:$0x3F99] =	sst lr;
	_ =	strace $0xD0000000  }
0x3: {  	_ = 	snop  }
0x4: {  	_ = 	snop  }
0x5: {  	_ = 	snop  }
0x6: {  	_ = 	snop  }
0x7: {  	_ = 	snop  }
__scs_overlays_trampoline_lowered:
0x8: {  	[smem:$0x3FA8] =	sst s0  }
0x9: {  	[smem:$0x3FA9] =	sst s1  }
0xa: {  	[smem:$0x3FAA] =	sst s2  }
0xb: {  	[smem:$0x3FAB] =	sst s3  }
0xc: {  	[smem:$0x3FAC] =	sst s4  }
0xd: {  	[smem:$0x3FAD] =	sst s5  }
0xe: {  	[smem:$0x3FAE] =	sst s6  }
0xf: {  	[smem:$0x3FAF] =	sst s7  }
0x10: {  	[smem:$0x3FB0] =	sst s8  }
0x11: {  	[smem:$0x3FB1] =	sst s9;
	s0 =	simm.s32 @!p0 $0x0  }
0x12: {  	s1 =	sld [smem:$0x3F97];
	s0 =	simm.s32 @p0 $0x1  }
0x13: {  	[smem:$0x3FB2] =	sst s0;
	s0 =	simm.s32 @!p1 $0x0  }
0x14: {  	s2 =	sld [smem:$0x3F96];
	s0 =	simm.s32 @p1 $0x1  }
0x15: {  	[smem:$0x3FB3] =	sst s0;
	s0 =	simm.s32 @!p2 $0x0  }
0x16: {  	s3 =	sld [smem:$0x3FDB];
	s0 =	simm.s32 @p2 $0x1  }
0x17: {  	s4 =	simm.s32 $0x1BF5;
	[smem:$0x3FB5] =	sst s0  }
0x18: {  	s0 =	sld [smem:$0x3F98];
	_ =	swait.ge [sflag:s4], $0x0  }
0x19: {  	s7 =	sld [smem:$0x3F99]  }
0x1a: {  	s8 =	sadd.s32 $0xFFFFE003, lr  }
0x1b: {  	s9 =	sadd.s32 $0xFFFFFEF7, lr;
	s5 =	simm.s32 $0xFFFFFFFF;
	p2 =	slt.u32 s8, $0xFFFFF086  }
0x1c: {  	p1 =	slt.u32 s9, $0xF7A;
	s5 =	simm.s32 @!p2 $0x0  }
0x1d: {  	s5 =	simm.s32 @p1 $0x1;
	p0 =	seq.s32 s7, s2  }
0x1e: {  	s7 =	smul.u32 @!p0 $0xF7A, s2;
	p2 =	seq.s32 @!p0 s5, $0x0  }
0x1f: {  	s9 =	smul.u32 $0xF7A, s1;
	s8 =	simm.s32 @!p0 $0x1BF5;
	p2 =	por !p2, p0  }
0x20: {  	[sflag:s8] =	ssyncset.s32 @!p0 $0xFFFFF086;
	s6 =	sadd.s32 @!p0 s3, s7;
	s7 =	simm.s32 @!p0 $0x108  }
0x21: {  	s3 =	sadd.s32 s3, s9;
	s6 =	sadd.s32 @!p0 $0x88, s6;
	s7 =	simm.s32 @p2 $0x1082  }
0x22: {  	[simem:s7], [sflag:s8] =	dma.local @!p0 [hbm:s6], $0xF7A  }
0x23: {  	s9 =	sor.u32 $0xD0000000, s2;
	s6 =	simm.s32 $0x108;
	_ =	swait.ge @!p0 [sflag:s8], $0x0  }
0x24: {  	s3 =	sadd.s32 $0x88, s3;
	s6 =	simm.s32 @!p1 $0x1082;
	[sflag:s4] =	ssyncset.s32 $0xFFFFF086  }
0x25: {  	[simem:s6], [sflag:s4] =	dma.local [hbm:s3], $0xF7A  }
0x26: {  	[smem:$0x3F99] =	sst s1;
	(tag) =	ssettag s2;
	_ =	strace s9  }
0x27: {  	s1 =	sld [smem:$0x3FA9]  }
0x28: {  	s2 =	sld [smem:$0x3FAA]  }
0x29: {  	s4 =	sld [smem:$0x3FAC]  }
0x2a: {  	p0 =	seq.s32 s5, $0x0;
	s5 =	sld [smem:$0x3FAD]  }
0x2b: {  	s6 =	sld [smem:$0x3FAE]  }
0x2c: {  	s7 =	sld [smem:$0x3FAF]  }
0x2d: {  	s3 =	simm.s32 $0x108;
	s8 =	sld [smem:$0x3FB0]  }
0x2e: {  	s3 =	simm.s32 @!p0 $0x1082;
	s9 =	sld [smem:$0x3FB1]  }
0x2f: {  	lr =	sadd.s32 s0, s3;
	s0 =	sld [smem:$0x3FA8]  }
0x30: {  	s3 =	sld [smem:$0x3FAB]  }
0x31: {  	[smem:$0x3FB4] =	sst s10  }
0x32: {  	s10 =	sld [smem:$0x3FB2];
	_ =	sdelay $0x3  }
0x33: {  	p0 =	seq.s32 s10, $0x1;
	s10 =	sld [smem:$0x3FB4];
	_ =	sdelay $0x3  }
0x34: {  	[smem:$0x3FB4] =	sst s10  }
0x35: {  	s10 =	sld [smem:$0x3FB3];
	_ =	sdelay $0x3  }
0x36: {  	p1 =	seq.s32 s10, $0x1;
	s10 =	sld [smem:$0x3FB4];
	_ =	sdelay $0x3  }
0x37: {  	[smem:$0x3FB4] =	sst s10  }
0x38: {  	s10 =	sld [smem:$0x3FB5]  }
0x39: {  	_ = 	snop;
	(pc) =	sbr.ind lr, $3  }
0x3a: {  	_ = 	snop  }
0x3b: {  	_ = 	snop  }
0x3c: {  	p2 =	seq.s32 s10, $0x1;
	s10 =	sld [smem:$0x3FB4]  }
0x3d: {  	_ =	shalt  }
0x3e: {  	_ =	shalt  }
0x3f: {  	_ =	shalt  }
0x40: {  	_ =	shalt  }
0x41: {  	_ =	shalt  }
0x42: {  	_ =	shalt  }
0x43: {  	_ =	shalt  }
0x44: {  	_ =	shalt  }
0x45: {  	_ =	shalt  }
0x46: {  	_ =	shalt  }
0x47: {  	_ =	shalt  }
0x48: {  	_ =	shalt  }
0x49: {  	_ =	shalt  }
0x4a: {  	_ =	shalt  }
0x4b: {  	_ =	shalt  }
0x4c: {  	_ =	shalt  }
0x4d: {  	_ =	shalt  }
0x4e: {  	_ =	shalt  }
0x4f: {  	_ =	shalt  }
0x50: {  	_ =	shalt  }
0x51: {  	_ =	shalt  }
0x52: {  	_ =	shalt  }
0x53: {  	_ =	shalt  }
0x54: {  	_ =	shalt  }
0x55: {  	_ =	shalt  }
0x56: {  	_ =	shalt  }
0x57: {  	_ =	shalt  }
0x58: {  	_ =	shalt  }
0x59: {  	_ =	shalt  }
0x5a: {  	_ =	shalt  }
0x5b: {  	_ =	shalt  }
0x5c: {  	_ =	shalt  }
0x5d: {  	_ =	shalt  }
0x5e: {  	_ =	shalt  }
0x5f: {  	_ =	shalt  }
0x60: {  	_ =	shalt  }
0x61: {  	_ =	shalt  }
0x62: {  	_ =	shalt  }
0x63: {  	_ =	shalt  }
0x64: {  	_ =	shalt  }
0x65: {  	_ =	shalt  }
0x66: {  	_ =	shalt  }
0x67: {  	_ =	shalt  }
0x68: {  	_ =	shalt  }
0x69: {  	_ =	shalt  }
0x6a: {  	_ =	shalt  }
0x6b: {  	_ =	shalt  }
0x6c: {  	_ =	shalt  }
0x6d: {  	_ =	shalt  }
0x6e: {  	_ =	shalt  }
0x6f: {  	_ =	shalt  }
0x70: {  	_ =	shalt  }
0x71: {  	_ =	shalt  }
0x72: {  	_ =	shalt  }
0x73: {  	_ =	shalt  }
0x74: {  	_ =	shalt  }
0x75: {  	_ =	shalt  }
0x76: {  	_ =	shalt  }
0x77: {  	_ =	shalt  }
0x78: {  	_ =	shalt  }
0x79: {  	_ =	shalt  }
0x7a: {  	_ =	shalt  }
0x7b: {  	_ =	shalt  }
0x7c: {  	_ =	shalt  }
0x7d: {  	_ =	shalt  }
0x7e: {  	_ =	shalt  }
0x7f: {  	_ =	shalt  }
0x80: {  	_ =	shalt  }
0x81: {  	_ =	shalt  }
0x82: {  	_ =	shalt  }
0x83: {  	_ =	shalt  }
0x84: {  	_ =	shalt  }
0x85: {  	_ =	shalt  }
0x86: {  	_ =	shalt  }
0x87: {  	_ =	shalt  }
.Lfunc_end0:
.L_simem_size_0:
called_computation.2_lowered:
.L_overlay_start_0:
0x88: {  	s2 =	sld [smem:$0x3FD9]  }
0x89: {  	s3 =	sld [smem:$0x3FFE];
	_ =	sdelay $0x1  }
0x8a: {  	s1 =	srdreg.scid  }
0x8b: {  	s0 =	sand.u32 $0x1, s1  }
0x8c: {  	s17 =	sshll.u32 s0, $0xA;
	s2 =	sadd.s32 s3, s2  }
0x8d: {  	s2 =	sadd.s32 s2, s17  }
0x8e: {  	[smem:$0x3FC0] =	sst s2  }
0x8f: {  	_ = 	snop  }
0x90: {  	s2 =	sld [smem:$0x3FD0];
	(tm) =	ssettm $0x1  }
0x91: {  	s18 =	sld [smem:$0x3FFB];
	_ =	sdelay $0x3  }
0x92: {  	_ =	strace s18  }
0x93: {  	s3 =	sld [smem:$0x3FFC];
	_ =	sdelay $0x3  }
0x94: {  	_ =	strace s3  }
0x95: {  	s3 =	sld [smem:$0x3FFD];
	_ =	sdelay $0x3  }
0x96: {  	_ =	strace s3  }
0x97: {  	_ =	strace $0x8FFFFFFF  }
0x98: {  	s19 =	sld [smem:$0x3FDB];
	_ =	sdelay $0x1  }
0x99: {  	s4 =	simm.s32 $_scs_section_size  }
0x9a: {  	s5 =	simm.s32 $_size__tile_overlayer_lowered;
	s6 =	simm.s32 $_tile_overlayer_lowered  }
0x9b: {  	s22 =	simm.s32 $0x1BFF;
	s21 =	sshll.u32 s6, $0x1;
	s3 =	sadd.s32 s4, s19  }
0x9c: {  	s7 =	simm.s32 $0x0;
	s20 =	sshll.u32 s5, $0x1;
	s5 =	sadd.s32 s21, s3  }
0x9d: {  	[timem:s7], [sflag:s22] =	dma.local [hbm:s5], s20  }
0x9e: {  	_ =	swait.ge [sflag:s22], s20  }
0x9f: {  	s4 =	ssub.s32 $0x0, s20;
	[sflag:s22] =	ssyncset.done $0x0  }
0xa0: {  	[sflag:s22] =	ssyncadd.s32 s4;
	_ =	sdelay $0x1  }
0xa1: {  	s23 =	simm.s32 $0x1B8B  }
0xa2: {  	_ =	swait.ge [sflag:s23], $0x1  }
0xa3: {  	[sflag:s23] =	ssyncset.done $0x0  }
0xa4: {  	s25 =	simm.s32 $0x1B8E;
	s24 =	sld [smem:$0x3FFE];
	[sflag:s23] =	ssyncadd.s32 $0xFFFFFFFF  }
0xa5: {  	s26 =	simm.s32 $execute0_lowered;
	[smem:$0x3FD2] =	sst s25  }
0xa6: {  	s5 =	sshll.u32 s26, $0x1;
	_ =	strace $0x8000004C;
	[dreg:$0x1] =	wrdreg $0xFFFFFFFF  }
0xa7: {  	s28 =	simm.s32 $_size_execute0_lowered;
	s3 =	sadd.s32 s3, s5;
	[dreg:$0x0] =	wrdreg $0x0  }
0xa8: {  	s5 =	sshll.u32 s28, $0x1;
	[dreg:$0x2] =	wrdreg s3  }
0xa9: {  	[dreg:$0x3] =	wrdreg s5  }
0xaa: {  	[dreg:$0x4] =	wrdreg $0xC0  }
0xab: {  	_ =	task [dreg:s7], $0x5FFFF  }
0xac: {  	[dreg:$0x1] =	wrdreg $0xFFFFFFFF  }
0xad: {  	[dreg:$0x0] =	wrdreg $0x60  }
0xae: {  	[dreg:$0x2] =	wrdreg s2  }
0xaf: {  	[dreg:$0x3] =	wrdreg s24  }
0xb0: {  	[dreg:$0x4] =	wrdreg $0x90000  }
0xb1: {  	[dreg:$0x5] =	wrdreg $0x9  }
0xb2: {  	_ =	task.clear_ibuf [dreg:s7], $0x6FFFF;
	_ =	strace $0x9000004C  }
0xb3: {  	s29 =	simm.s32 $0x9;
	_ =	strace $0x8000004E  }
0xb4: {  	_ =	swait.ge [sflag:s29], $0x1  }
0xb5: {  	[sflag:s29] =	ssyncadd.s32 $0xFFFFFFFF  }
0xb6: {  	_ =	strace $0x9000004E  }
0xb7: {  	_ =	sfence  }
0xb8: {  	s30 =	sld [smem:$0x0];
	_ =	sdelay $0x2  }
0xb9: {  	s31 =	sshll.u32 s1, $0xD;
	s1 =	sshrl.u32 s1, $0x2  }
0xba: {  	s3 =	sand.u32 $0x4000, s31;
	s1 =	sadd.s32 s1, s30  }
0xbb: {  	s0 =	sor.u32 s3, s0;
	s1 =	sshll.u32 s1, $0x11  }
0xbc: {  	s0 =	sor.u32 s1, s0  }
0xbd: {  	s0 =	sadd.s32 $0x8F2B, s0  }
0xbe: {  	[sflag:s0] =	ssyncadd.remote.s32 $0x1  }
0xbf: {  	_ =	sfence.sel $0xFFFF  }
0xc0: {  	[dreg:$0x0] =	wrdreg $0xFFFFFFFF;
	(pc) =	sbr.abs _section_cstart, $3  }
0xc1: {  	[dreg:$0x1] =	wrdreg $0xFFFFFFFF  }
0xc2: {  	_ =	task.clear_ibuf [dreg:s7], $0x2FFFF;
	_ =	strace $0x9FFFFFFF  }
0xc3: {  	(tm) =	ssettm $0x7FFFFFFF  }
tec
execute0_lowered:
.L_overlay_start_1:
0x0: {  	(tag) =	ssettag $0x1  }
0x1: {  	s1 =	rddreg [dreg:$0x0]  }
0x2: {  	s6 =	rddreg [dreg:$0x1]  }
0x3: {  	s0 =	srdreg.scid;
	s3 =	rddreg [dreg:$0x2]  }
0x4: {  	s4 =	simm.s32 $0x0;
	s14 =	simm.s32 $0x40;
	s15 =	simm.s32 $0x5000  }
0x5: {  	s16 =	simm.s32 $0x7000;
	s17 =	simm.s32 $0x1;
	s18 =	simm.s32 $0x2  }
0x6: {  	s19 =	simm.s32 $0x2740;
	s5 =	sand.u32 $0x1, s0;
	s0 =	stileid.u32  }
0x7: {  	s20 =	simm.s32 $0x4F00;
	s21 =	simm.s32 $0x4F40;
	s8 =	smul.u32 $0x13C00, s0  }
0x8: {  	s22 =	simm.s32 $0x0;
	[smem:$0x7FF] =	sst s4;
	s9 =	smul.u32 $0x13C000, s5  }
0x9: {  	s2 =	sshll.u32 s5, $0x4;
	s28 =	smul.u32 $0x4F000, s0;
	s5 =	ssub.s32 $0x2, s5  }
0xa: {  	s31 =	sshll.u32 s0, $0x6;
	s2 =	sor.u32 s0, s2;
	s29 =	sshrl.u32 s5, $0x1  }
0xb: {  	s7 =	smul.u32 $0x500, s2;
	s2 =	rddreg [dreg:$0x3];
	_ =	strace $0x8000004D  }
0xc: {  	s26 =	sshrl.u32 s8, $0x3;
	s8 =	sadd.s32 s8, s9;
	s30 =	sshrl.u32 s28, $0x2  }
0xd: {  	s12 =	ssub.s32 s5, s29;
	s8 =	sshrl.u32 s8, $0x3;
	s13 =	sadd.s32 s30, s3  }
0xe: {  	s10 =	sadd.s32 s7, s6;
	s7 =	sadd.s32 s26, s6;
	s11 =	sadd.s32 s8, s6  }
0xf: {  	s6 =	sor.u32 $0x1C03, s31;
	s5 =	sadd.s32 $0x16200, s7;
	s7 =	sadd.s32 $0xC200, s10  }
0x10: {  	s8 =	sadd.s32 $0x2200, s10;
	s9 =	sadd.s32 $0x3DA00, s11;
	s10 =	smax.u32 s12, $0x1  }
0x11: {  	s11 =	sshrl.u32 s13, $0x3;
	s12 =	simm.s32 $0x3;
	s13 =	simm.s32 $0x2800  }
.LBB2_1:
0x12: {  	[spmem:s11], [sflag:s6] =	dma.local [hbm:s5], $0x2780  }
0x13: {  	_ =	swait.ge [sflag:s12], $0x2780  }
0x14: {  	[sflag:s12] =	ssyncset.done $0x0  }
0x15: {  	[sflag:s12] =	ssyncadd.s32 $0xFFFFD880  }
0x16: {  	[tilespmem:s4], [sflag:$0x3] =	stream.linear.gather [hbm4b:s7+s4], $0x2780, $0x38;
	[tilespmem:$0x1CC00] =	vst v63  }
0x17: {  	_ =	swait.ge [sflag:s12], $0x2780  }
0x18: {  	[sflag:s12] =	ssyncset.done $0x0  }
0x19: {  	[sflag:s12] =	ssyncadd.s32 $0xFFFFD880  }
0x1a: {  	[tilespmem:s13], [sflag:$0x3] =	stream.linear.gather [hbm4b:s8+s4], $0x2780, $0x38;
	[tilespmem:$0x1CC00] =	vst v63  }
0x1b: {  	_ =	swait.ge [sflag:s12], $0x2780  }
0x1c: {  	[sflag:s12] =	ssyncset.done $0x0  }
0x1d: {  	[sflag:s12] =	ssyncadd.s32 $0xFFFFD880  }
0x1e: {  	[bflag:$0x0] =	sbarrier.arrive $0xFFFF  }
0x1f: {  	[tilespmem:s15], [sflag:$0x1] =	stream.indirect.gather [hbm4b:s1+s14], $0x80, s4, s14, $0xb8;
	[tilespmem:$0x1CC00] =	vst v63  }
0x20: {  	s23 =	simm.s32 $0x40  }
0x21: {  	[tilespmem:s16], [sflag:$0x2] =	stream.indirect.gather [hbm4b:s1+s14], $0x80, s23, s14, $0xb8;
	[tilespmem:$0x1CC00] =	vst v63  }
0x22: {  	_ =	swait.ge [sflag:s17], $0x2000  }
0x23: {  	[sflag:s17] =	ssyncset.done $0x0  }
0x24: {  	s29 =	simm.s32 $0x2800;
	[sflag:s17] =	ssyncadd.s32 $0xFFFFE000  }
0x25: {  	[spmem:s3] =	stream.indirect.scatter.add.f32 [tilespmem:s15], [sflag:$0x3], $0x80, s29, s14, $0xb8;
	[tilespmem:$0x1CC00] =	vst v63  }
0x26: {  	_ =	swait.ge [sflag:s12], $0x2000  }
0x27: {  	[sflag:s12] =	ssyncset.done $0x0  }
0x28: {  	s30 =	simm.s32 $0x80;
	[sflag:s12] =	ssyncadd.s32 $0xFFFFE000  }
0x29: {  	[tilespmem:s15], [sflag:$0x1] =	stream.indirect.gather [hbm4b:s1+s14], $0x80, s30, s14, $0xb8;
	[tilespmem:$0x1CC00] =	vst v63  }
0x2a: {  	_ =	swait.ge [sflag:s18], $0x2000  }
0x2b: {  	[sflag:s18] =	ssyncset.done $0x0  }
0x2c: {  	s31 =	simm.s32 $0x2840;
	[sflag:s18] =	ssyncadd.s32 $0xFFFFE000  }
0x2d: {  	[spmem:s3] =	stream.indirect.scatter.add.f32 [tilespmem:s16], [sflag:$0x3], $0x80, s31, s14, $0xb8;
	[tilespmem:$0x1CC00] =	vst v63  }
0x2e: {  	_ =	swait.ge [sflag:s12], $0x2000  }
0x2f: {  	s24 =	simm.s32 $0x400;
	s23 =	simm.s32 $0x80;
	[sflag:s12] =	ssyncset.done $0x0  }
.LBB2_2:
0x30: {  	s25 =	sadd.s32 $0x40, s23  }
0x31: {  	[sflag:s12] =	ssyncadd.s32 $0xFFFFE000;
	s26 =	smov.u32 s24;
	s28 =	sadd.s32 $0x200, s24  }
0x32: {  	[tilespmem:s16], [sflag:$0x2] =	stream.indirect.gather [hbm4b:s1+s14], $0x80, s25, s14, $0xb8;
	[tilespmem:$0x1CC00] =	vst v63  }
0x33: {  	p0 =	sne.s32 s24, $0x9A00;
	_ =	swait.ge [sflag:s17], $0x2000  }
0x34: {  	[sflag:s17] =	ssyncset.done $0x0  }
0x35: {  	s24 =	sadd.s32 $0x2800, s23;
	[sflag:s17] =	ssyncadd.s32 $0xFFFFE000  }
0x36: {  	[spmem:s3] =	stream.indirect.scatter.add.f32 [tilespmem:s15], [sflag:$0x3], $0x80, s24, s14, $0xb8;
	[tilespmem:$0x1CC00] =	vst v63  }
0x37: {  	_ =	swait.ge [sflag:s12], $0x2000  }
0x38: {  	[sflag:s12] =	ssyncset.done $0x0  }
0x39: {  	s24 =	sadd.s32 $0x80, s23;
	[sflag:s12] =	ssyncadd.s32 $0xFFFFE000  }
0x3a: {  	[tilespmem:s15], [sflag:$0x1] =	stream.indirect.gather [hbm4b:s1+s14], $0x80, s24, s14, $0xb8;
	[tilespmem:$0x1CC00] =	vst v63  }
0x3b: {  	_ =	swait.ge [sflag:s18], $0x2000  }
.Ltmp0:
0x3c: {  	[sflag:s18] =	ssyncset.done $0x0;
	(pc) =	sbr.rel @p0 .LBB2_2-.Ltmp0, $4  }
0x3d: {  	s23 =	sadd.s32 $0x2840, s23;
	[sflag:s18] =	ssyncadd.s32 $0xFFFFE000  }
0x3e: {  	[spmem:s3] =	stream.indirect.scatter.add.f32 [tilespmem:s16], [sflag:$0x3], $0x80, s23, s14, $0xb8;
	[tilespmem:$0x1CC00] =	vst v63  }
0x3f: {  	_ =	swait.ge [sflag:s12], $0x2000  }
0x40: {  	s24 =	smov.u32 s28;
	s23 =	sshra.s32 s26, $0x2;
	[sflag:s12] =	ssyncset.done $0x0  }
0x41: {  	s24 =	sadd.s32 $0x40, s23;
	[sflag:s12] =	ssyncadd.s32 $0xFFFFE000  }
0x42: {  	[tilespmem:s16], [sflag:$0x2] =	stream.indirect.gather [hbm4b:s1+s14], $0x80, s24, s14, $0xb8;
	[tilespmem:$0x1CC00] =	vst v63  }
0x43: {  	_ =	swait.ge [sflag:s17], $0x2000  }
0x44: {  	[sflag:s17] =	ssyncset.done $0x0  }
0x45: {  	s29 =	sadd.s32 $0x2800, s23;
	[sflag:s17] =	ssyncadd.s32 $0xFFFFE000  }
0x46: {  	[spmem:s3] =	stream.indirect.scatter.add.f32 [tilespmem:s15], [sflag:$0x3], $0x80, s29, s14, $0xb8;
	[tilespmem:$0x1CC00] =	vst v63  }
0x47: {  	_ =	swait.ge [sflag:s12], $0x2000  }
0x48: {  	[sflag:s12] =	ssyncset.done $0x0  }
0x49: {  	s30 =	sadd.s32 $0x80, s23;
	[sflag:s12] =	ssyncadd.s32 $0xFFFFE000  }
0x4a: {  	[tilespmem:s15], [sflag:$0x1] =	stream.indirect.gather [hbm4b:s1+s14], $0x80, s30, s14, $0xb8;
	[tilespmem:$0x1CC00] =	vst v63  }
0x4b: {  	_ =	swait.ge [sflag:s18], $0x2000  }
0x4c: {  	[sflag:s18] =	ssyncset.done $0x0  }
0x4d: {  	s31 =	sadd.s32 $0x2840, s23;
	[sflag:s18] =	ssyncadd.s32 $0xFFFFE000  }
0x4e: {  	[spmem:s3] =	stream.indirect.scatter.add.f32 [tilespmem:s16], [sflag:$0x3], $0x80, s31, s14, $0xb8;
	[tilespmem:$0x1CC00] =	vst v63  }
0x4f: {  	_ =	swait.ge [sflag:s12], $0x2000  }
0x50: {  	[sflag:s12] =	ssyncset.done $0x0  }
0x51: {  	[sflag:s12] =	ssyncadd.s32 $0xFFFFE000  }
0x52: {  	[tilespmem:s16], [sflag:$0x2] =	stream.indirect.gather [hbm4b:s1+s14], $0x80, s19, s14, $0xb8;
	[tilespmem:$0x1CC00] =	vst v63  }
0x53: {  	_ =	swait.ge [sflag:s17], $0x2000  }
0x54: {  	[sflag:s17] =	ssyncset.done $0x0  }
0x55: {  	[sflag:s17] =	ssyncadd.s32 $0xFFFFE000  }
0x56: {  	[spmem:s3] =	stream.indirect.scatter.add.f32 [tilespmem:s15], [sflag:$0x3], $0x80, s20, s14, $0xb8;
	[tilespmem:$0x1CC00] =	vst v63  }
0x57: {  	_ =	swait.ge [sflag:s12], $0x2000  }
0x58: {  	[sflag:s12] =	ssyncset.done $0x0  }
0x59: {  	[sflag:s12] =	ssyncadd.s32 $0xFFFFE000  }
0x5a: {  	_ =	swait.ge [sflag:s18], $0x2000  }
0x5b: {  	[sflag:s18] =	ssyncset.done $0x0  }
0x5c: {  	[sflag:s18] =	ssyncadd.s32 $0xFFFFE000  }
0x5d: {  	[spmem:s3] =	stream.indirect.scatter.add.f32 [tilespmem:s16], [sflag:$0x3], $0x80, s21, s14, $0xb8;
	[tilespmem:$0x1CC00] =	vst v63  }
0x5e: {  	_ =	swait.ge [sflag:s12], $0x2000  }
0x5f: {  	s22 =	sadd.s32 $0x1, s22;
	[sflag:s12] =	ssyncset.done $0x0  }
0x60: {  	p0 =	sne.s32 s22, s10;
	[sflag:s12] =	ssyncadd.s32 $0xFFFFE000  }
.Ltmp1:
0x61: {  	[bflag:$0x0] =	sbarrier.arrive $0xFFFF;
	(pc) =	sbr.rel @p0 .LBB2_1-.Ltmp1, $4  }
0x62: {  	[hbm:s9], [sflag:s6] =	dma.local [spmem:s11], $0x2780  }
0x63: {  	_ =	swait.ge [sflag:s12], $0x2780  }
0x64: {  	[sflag:s12] =	ssyncset.done $0x0  }
0x65: {  	[sflag:s12] =	ssyncadd.s32 $0xFFFFD880  }
0x66: {  	_ =	sfence.sel $0x180000  }
0x67: {  	[bflag:$0x0] =	sbarrier.arrive $0xFFFF  }
0x68: {  	p0 =	sne.s32 s0, $0x0;
	_ =	strace $0x9000004D  }
0x69: {  	s0 =	sadd.s32 @!p0 $0x100000, s2;
	[bflag:$0x2] =	sbarrier.arrive $0xFFFF  }
0x6a: {  	[sflag:s0] =	ssyncadd.tile.s32 @!p0 $0x1;
	_ =	shalt  }
.Lfunc_end2:
_tile_overlayer_lowered:
.L_overlay_start_2:
0x6b: {  	(tag) =	ssettag $0x2  }
0x6c: {  	s0 =	rddreg [dreg:$0x0];
	s2 =	stileid.u32  }
0x6d: {  	s1 =	rddreg [dreg:$0x1];
	p0 =	sne.s32 s2, $0x0  }
0x6e: {  	s3 =	rddreg [dreg:$0x2];
	[bflag:$0x3] =	sbarrier.arrive $0xFFFF;
	s2 =	simm.s32 @!p0 $0x1C03  }
0x6f: {  	[timem:s3], [sflag:s2] =	dma.local @!p0 [hbm:s0], s1  }
0x70: {  	s0 =	simm.s32 @!p0 $0x3  }
0x71: {  	_ =	swait.ge @!p0 [sflag:s0], s1  }
0x72: {  	s1 =	ssub.s32 @!p0 $0x0, s1;
	[sflag:s0] =	ssyncset.done @!p0 $0x0  }
0x73: {  	[sflag:s0] =	ssyncadd.s32 @!p0 s1  }
0x74: {  	[bflag:$0x3] =	sbarrier.arrive $0xFFFF  }
0x75: {  	_ =	shalt  }

// kernel: kernel.9.cloned.1.call-start
scs
__scs_entry_jumppad:
0x0: {  	(pc) =	sbr.rel $0x88, $3  }
0x1: {  	(tag) =	ssettag $0x0;
	lr =	simm.s32 $0x1  }
0x2: {  	[smem:$0x3F99] =	sst lr;
	_ =	strace $0xD0000000  }
0x3: {  	_ = 	snop  }
0x4: {  	_ = 	snop  }
0x5: {  	_ = 	snop  }
0x6: {  	_ = 	snop  }
0x7: {  	_ = 	snop  }
__scs_overlays_trampoline_lowered:
0x8: {  	[smem:$0x3FA8] =	sst s0  }
0x9: {  	[smem:$0x3FA9] =	sst s1  }
0xa: {  	[smem:$0x3FAA] =	sst s2  }
0xb: {  	[smem:$0x3FAB] =	sst s3  }
0xc: {  	[smem:$0x3FAC] =	sst s4  }
0xd: {  	[smem:$0x3FAD] =	sst s5  }
0xe: {  	[smem:$0x3FAE] =	sst s6  }
0xf: {  	[smem:$0x3FAF] =	sst s7  }
0x10: {  	[smem:$0x3FB0] =	sst s8  }
0x11: {  	[smem:$0x3FB1] =	sst s9;
	s0 =	simm.s32 @!p0 $0x0  }
0x12: {  	s1 =	sld [smem:$0x3F97];
	s0 =	simm.s32 @p0 $0x1  }
0x13: {  	[smem:$0x3FB2] =	sst s0;
	s0 =	simm.s32 @!p1 $0x0  }
0x14: {  	s2 =	sld [smem:$0x3F96];
	s0 =	simm.s32 @p1 $0x1  }
0x15: {  	[smem:$0x3FB3] =	sst s0;
	s0 =	simm.s32 @!p2 $0x0  }
0x16: {  	s3 =	sld [smem:$0x3FDB];
	s0 =	simm.s32 @p2 $0x1  }
0x17: {  	s4 =	simm.s32 $0x1BF5;
	[smem:$0x3FB5] =	sst s0  }
0x18: {  	s0 =	sld [smem:$0x3F98];
	_ =	swait.ge [sflag:s4], $0x0  }
0x19: {  	s7 =	sld [smem:$0x3F99]  }
0x1a: {  	s8 =	sadd.s32 $0xFFFFE003, lr  }
0x1b: {  	s9 =	sadd.s32 $0xFFFFFEF7, lr;
	s5 =	simm.s32 $0xFFFFFFFF;
	p2 =	slt.u32 s8, $0xFFFFF086  }
0x1c: {  	p1 =	slt.u32 s9, $0xF7A;
	s5 =	simm.s32 @!p2 $0x0  }
0x1d: {  	s5 =	simm.s32 @p1 $0x1;
	p0 =	seq.s32 s7, s2  }
0x1e: {  	s7 =	smul.u32 @!p0 $0xF7A, s2;
	p2 =	seq.s32 @!p0 s5, $0x0  }
0x1f: {  	s9 =	smul.u32 $0xF7A, s1;
	s8 =	simm.s32 @!p0 $0x1BF5;
	p2 =	por !p2, p0  }
0x20: {  	[sflag:s8] =	ssyncset.s32 @!p0 $0xFFFFF086;
	s6 =	sadd.s32 @!p0 s3, s7;
	s7 =	simm.s32 @!p0 $0x108  }
0x21: {  	s3 =	sadd.s32 s3, s9;
	s6 =	sadd.s32 @!p0 $0x88, s6;
	s7 =	simm.s32 @p2 $0x1082  }
0x22: {  	[simem:s7], [sflag:s8] =	dma.local @!p0 [hbm:s6], $0xF7A  }
0x23: {  	s9 =	sor.u32 $0xD0000000, s2;
	s6 =	simm.s32 $0x108;
	_ =	swait.ge @!p0 [sflag:s8], $0x0  }
0x24: {  	s3 =	sadd.s32 $0x88, s3;
	s6 =	simm.s32 @!p1 $0x1082;
	[sflag:s4] =	ssyncset.s32 $0xFFFFF086  }
0x25: {  	[simem:s6], [sflag:s4] =	dma.local [hbm:s3], $0xF7A  }
0x26: {  	[smem:$0x3F99] =	sst s1;
	(tag) =	ssettag s2;
	_ =	strace s9  }
0x27: {  	s1 =	sld [smem:$0x3FA9]  }
0x28: {  	s2 =	sld [smem:$0x3FAA]  }
0x29: {  	s4 =	sld [smem:$0x3FAC]  }
0x2a: {  	p0 =	seq.s32 s5, $0x0;
	s5 =	sld [smem:$0x3FAD]  }
0x2b: {  	s6 =	sld [smem:$0x3FAE]  }
0x2c: {  	s7 =	sld [smem:$0x3FAF]  }
0x2d: {  	s3 =	simm.s32 $0x108;
	s8 =	sld [smem:$0x3FB0]  }
0x2e: {  	s3 =	simm.s32 @!p0 $0x1082;
	s9 =	sld [smem:$0x3FB1]  }
0x2f: {  	lr =	sadd.s32 s0, s3;
	s0 =	sld [smem:$0x3FA8]  }
0x30: {  	s3 =	sld [smem:$0x3FAB]  }
0x31: {  	[smem:$0x3FB4] =	sst s10  }
0x32: {  	s10 =	sld [smem:$0x3FB2];
	_ =	sdelay $0x3  }
0x33: {  	p0 =	seq.s32 s10, $0x1;
	s10 =	sld [smem:$0x3FB4];
	_ =	sdelay $0x3  }
0x34: {  	[smem:$0x3FB4] =	sst s10  }
0x35: {  	s10 =	sld [smem:$0x3FB3];
	_ =	sdelay $0x3  }
0x36: {  	p1 =	seq.s32 s10, $0x1;
	s10 =	sld [smem:$0x3FB4];
	_ =	sdelay $0x3  }
0x37: {  	[smem:$0x3FB4] =	sst s10  }
0x38: {  	s10 =	sld [smem:$0x3FB5]  }
0x39: {  	_ = 	snop;
	(pc) =	sbr.ind lr, $3  }
0x3a: {  	_ = 	snop  }
0x3b: {  	_ = 	snop  }
0x3c: {  	p2 =	seq.s32 s10, $0x1;
	s10 =	sld [smem:$0x3FB4]  }
0x3d: {  	_ =	shalt  }
0x3e: {  	_ =	shalt  }
0x3f: {  	_ =	shalt  }
0x40: {  	_ =	shalt  }
0x41: {  	_ =	shalt  }
0x42: {  	_ =	shalt  }
0x43: {  	_ =	shalt  }
0x44: {  	_ =	shalt  }
0x45: {  	_ =	shalt  }
0x46: {  	_ =	shalt  }
0x47: {  	_ =	shalt  }
0x48: {  	_ =	shalt  }
0x49: {  	_ =	shalt  }
0x4a: {  	_ =	shalt  }
0x4b: {  	_ =	shalt  }
0x4c: {  	_ =	shalt  }
0x4d: {  	_ =	shalt  }
0x4e: {  	_ =	shalt  }
0x4f: {  	_ =	shalt  }
0x50: {  	_ =	shalt  }
0x51: {  	_ =	shalt  }
0x52: {  	_ =	shalt  }
0x53: {  	_ =	shalt  }
0x54: {  	_ =	shalt  }
0x55: {  	_ =	shalt  }
0x56: {  	_ =	shalt  }
0x57: {  	_ =	shalt  }
0x58: {  	_ =	shalt  }
0x59: {  	_ =	shalt  }
0x5a: {  	_ =	shalt  }
0x5b: {  	_ =	shalt  }
0x5c: {  	_ =	shalt  }
0x5d: {  	_ =	shalt  }
0x5e: {  	_ =	shalt  }
0x5f: {  	_ =	shalt  }
0x60: {  	_ =	shalt  }
0x61: {  	_ =	shalt  }
0x62: {  	_ =	shalt  }
0x63: {  	_ =	shalt  }
0x64: {  	_ =	shalt  }
0x65: {  	_ =	shalt  }
0x66: {  	_ =	shalt  }
0x67: {  	_ =	shalt  }
0x68: {  	_ =	shalt  }
0x69: {  	_ =	shalt  }
0x6a: {  	_ =	shalt  }
0x6b: {  	_ =	shalt  }
0x6c: {  	_ =	shalt  }
0x6d: {  	_ =	shalt  }
0x6e: {  	_ =	shalt  }
0x6f: {  	_ =	shalt  }
0x70: {  	_ =	shalt  }
0x71: {  	_ =	shalt  }
0x72: {  	_ =	shalt  }
0x73: {  	_ =	shalt  }
0x74: {  	_ =	shalt  }
0x75: {  	_ =	shalt  }
0x76: {  	_ =	shalt  }
0x77: {  	_ =	shalt  }
0x78: {  	_ =	shalt  }
0x79: {  	_ =	shalt  }
0x7a: {  	_ =	shalt  }
0x7b: {  	_ =	shalt  }
0x7c: {  	_ =	shalt  }
0x7d: {  	_ =	shalt  }
0x7e: {  	_ =	shalt  }
0x7f: {  	_ =	shalt  }
0x80: {  	_ =	shalt  }
0x81: {  	_ =	shalt  }
0x82: {  	_ =	shalt  }
0x83: {  	_ =	shalt  }
0x84: {  	_ =	shalt  }
0x85: {  	_ =	shalt  }
0x86: {  	_ =	shalt  }
0x87: {  	_ =	shalt  }
.Lfunc_end0:
.L_simem_size_0:
called_computation_lowered:
.L_overlay_start_0:
0x88: {  	s2 =	sld [smem:$0x3FD9]  }
0x89: {  	s3 =	sld [smem:$0x3FFE];
	_ =	sdelay $0x1  }
0x8a: {  	s1 =	srdreg.scid  }
0x8b: {  	s0 =	sand.u32 $0x1, s1  }
0x8c: {  	s17 =	sshll.u32 s0, $0xA;
	s2 =	sadd.s32 s3, s2  }
0x8d: {  	s2 =	sadd.s32 s2, s17  }
0x8e: {  	[smem:$0x3FC0] =	sst s2  }
0x8f: {  	_ = 	snop  }
0x90: {  	s18 =	sld [smem:$0x3FD0];
	(tm) =	ssettm $0x1  }
0x91: {  	s19 =	sld [smem:$0x3FFB];
	_ =	sdelay $0x3  }
0x92: {  	_ =	strace s19  }
0x93: {  	s2 =	sld [smem:$0x3FFC];
	_ =	sdelay $0x3  }
0x94: {  	_ =	strace s2  }
0x95: {  	s2 =	sld [smem:$0x3FFD];
	_ =	sdelay $0x3  }
0x96: {  	_ =	strace s2  }
0x97: {  	_ =	strace $0x8FFFFFFF  }
0x98: {  	s20 =	sld [smem:$0x3FDB];
	_ =	sdelay $0x1  }
0x99: {  	s4 =	simm.s32 $_scs_section_size  }
0x9a: {  	s5 =	simm.s32 $_size__tile_overlayer_lowered;
	s6 =	simm.s32 $_tile_overlayer_lowered  }
0x9b: {  	s7 =	simm.s32 $0x1BFF;
	s21 =	sshll.u32 s6, $0x1;
	s4 =	sadd.s32 s4, s20  }
0x9c: {  	s22 =	simm.s32 $0x0;
	s5 =	sshll.u32 s5, $0x1;
	s6 =	sadd.s32 s21, s4  }
0x9d: {  	[timem:s22], [sflag:s7] =	dma.local [hbm:s6], s5  }
0x9e: {  	_ =	swait.ge [sflag:s7], s5  }
0x9f: {  	s5 =	ssub.s32 $0x0, s5;
	[sflag:s7] =	ssyncset.done $0x0  }
0xa0: {  	[sflag:s7] =	ssyncadd.s32 s5;
	_ =	sdelay $0x1  }
0xa1: {  	s23 =	simm.s32 $0x1B8B  }
0xa2: {  	_ =	swait.ge [sflag:s23], $0x1  }
0xa3: {  	[sflag:s23] =	ssyncset.done $0x0  }
0xa4: {  	[sflag:s23] =	ssyncadd.s32 $0xFFFFFFFF  }
0xa5: {  	s5 =	sld [smem:$0x0]  }
0xa6: {  	s6 =	sand.u32 $0xFFFFFFFE, s1  }
0xa7: {  	p0 =	sne.s32 s1, s6  }
0xa8: {  	s6 =	sshll.u32 @p0 s6, $0xE  }
0xa9: {  	s6 =	sadd.s32 @p0 $0x11B8D, s6;
	s7 =	sshll.u32 @p0 s5, $0x11  }
0xaa: {  	s6 =	sor.u32 @p0 s7, s6  }
0xab: {  	[sflag:s6] =	ssyncadd.remote.s32 @p0 $0x1;
	_ =	sdelay $0x1  }
0xac: {  	s6 =	simm.s32 @p0 $0x1B8D  }
0xad: {  	_ =	swait.eq @p0 [sflag:s6], $0x1  }
0xae: {  	[sflag:s6] =	ssyncadd.s32 @p0 $0xFFFFFFFF  }
0xaf: {  	s7 =	sshll.u32 @!p0 s1, $0xE  }
0xb0: {  	s7 =	sor.u32 @!p0 $0x4000, s7;
	s6 =	simm.s32 @!p0 $0x1B8D  }
0xb1: {  	s5 =	sshll.u32 @!p0 s5, $0x11;
	s7 =	sadd.s32 @!p0 $0x11B8D, s7;
	_ =	swait.eq @!p0 [sflag:s6], $0x1  }
0xb2: {  	s5 =	sor.u32 @!p0 s5, s7;
	[sflag:s6] =	ssyncadd.s32 @!p0 $0xFFFFFFFF  }
0xb3: {  	s25 =	simm.s32 $0x1B8E;
	s24 =	sld [smem:$0x3FFE];
	[sflag:s5] =	ssyncadd.remote.s32 @!p0 $0x1  }
0xb4: {  	s26 =	simm.s32 $execute0_lowered;
	[smem:$0x3FD2] =	sst s25  }
0xb5: {  	s6 =	sshll.u32 s26, $0x1;
	_ =	strace $0x80000049;
	[dreg:$0x1] =	wrdreg $0xFFFFFFFF  }
0xb6: {  	s28 =	simm.s32 $_size_execute0_lowered;
	s4 =	sadd.s32 s4, s6;
	[dreg:$0x0] =	wrdreg $0x0  }
0xb7: {  	s6 =	sshll.u32 s28, $0x1;
	[dreg:$0x2] =	wrdreg s4  }
0xb8: {  	[dreg:$0x3] =	wrdreg s6  }
0xb9: {  	[dreg:$0x4] =	wrdreg $0xC0  }
0xba: {  	_ =	task [dreg:s22], $0x5FFFF  }
0xbb: {  	[dreg:$0x1] =	wrdreg $0xFFFFFFFF  }
0xbc: {  	[dreg:$0x0] =	wrdreg $0x60  }
0xbd: {  	[dreg:$0x2] =	wrdreg s24  }
0xbe: {  	[dreg:$0x3] =	wrdreg s18  }
0xbf: {  	[dreg:$0x4] =	wrdreg $0x68000  }
0xc0: {  	[dreg:$0x5] =	wrdreg $0x9  }
0xc1: {  	_ =	task.clear_ibuf [dreg:s22], $0x6FFFF;
	_ =	strace $0x90000049  }
0xc2: {  	s29 =	simm.s32 $0x9;
	_ =	strace $0x8000004B  }
0xc3: {  	_ =	swait.ge [sflag:s29], $0x1  }
0xc4: {  	[sflag:s29] =	ssyncadd.s32 $0xFFFFFFFF  }
0xc5: {  	_ =	strace $0x9000004B  }
0xc6: {  	_ =	sfence  }
0xc7: {  	s30 =	sld [smem:$0x0];
	_ =	sdelay $0x2  }
0xc8: {  	s31 =	sshll.u32 s1, $0xD;
	s1 =	sshrl.u32 s1, $0x2  }
0xc9: {  	s4 =	sand.u32 $0x4000, s31;
	s1 =	sadd.s32 s1, s30  }
0xca: {  	s0 =	sor.u32 s4, s0;
	s1 =	sshll.u32 s1, $0x11  }
0xcb: {  	s0 =	sor.u32 s1, s0  }
0xcc: {  	s0 =	sadd.s32 $0x8F2B, s0  }
0xcd: {  	[sflag:s0] =	ssyncadd.remote.s32 $0x1  }
0xce: {  	_ =	sfence.sel $0xFFFF  }
0xcf: {  	[dreg:$0x0] =	wrdreg $0xFFFFFFFF;
	(pc) =	sbr.abs _section_cstart, $3  }
0xd0: {  	[dreg:$0x1] =	wrdreg $0xFFFFFFFF  }
0xd1: {  	_ =	task.clear_ibuf [dreg:s22], $0x2FFFF;
	_ =	strace $0x9FFFFFFF  }
0xd2: {  	(tm) =	ssettm $0x7FFFFFFF  }
0xd3: {  	_ =	shalt  }
tec
execute0_lowered:
.L_overlay_start_1:
0x0: {  	(tag) =	ssettag $0x1  }
0x1: {  	s6 =	rddreg [dreg:$0x0]  }
0x2: {  	s2 =	rddreg [dreg:$0x1]  }
0x3: {  	s0 =	srdreg.scid;
	s3 =	rddreg [dreg:$0x2]  }
0x4: {  	s4 =	simm.s32 $0x0;
	s5 =	sand.u32 $0x1, s0;
	s0 =	stileid.u32  }
0x5: {  	s13 =	simm.s32 $0x80;
	s14 =	simm.s32 $0x1;
	s8 =	smul.u32 $0x13C00, s0  }
0x6: {  	s15 =	simm.s32 $0x2;
	s16 =	simm.s32 $0x0;
	s9 =	smul.u32 $0x13C000, s5  }
0x7: {  	[smem:$0x7FF] =	sst s4;
	s1 =	sshll.u32 s5, $0x4;
	s29 =	smul.u32 $0x4F000, s0  }
0x8: {  	s5 =	ssub.s32 $0x2, s5;
	s31 =	sshll.u32 s0, $0x6;
	s1 =	sor.u32 s0, s1  }
0x9: {  	s30 =	sshrl.u32 s5, $0x1;
	s7 =	smul.u32 $0x500, s1;
	s1 =	rddreg [dreg:$0x3]  }
0xa: {  	_ =	strace $0x8000004A;
	s10 =	sshrl.u32 s8, $0x3;
	s8 =	sadd.s32 s8, s9  }
0xb: {  	s9 =	sshrl.u32 s29, $0x2;
	s11 =	ssub.s32 s5, s30;
	s10 =	sadd.s32 s10, s6  }
0xc: {  	s8 =	sshrl.u32 s8, $0x3;
	s12 =	sadd.s32 s9, s3;
	s9 =	smax.u32 s11, $0x1  }
0xd: {  	s11 =	simm.s32 $0x3;
	s7 =	sadd.s32 s7, s6;
	s8 =	sadd.s32 s8, s6  }
0xe: {  	s5 =	sadd.s32 $0x16200, s10;
	s6 =	sor.u32 $0x1C03, s31;
	s10 =	sshrl.u32 s12, $0x3  }
0xf: {  	s12 =	simm.s32 $0x2800;
	s7 =	sadd.s32 $0x2200, s7;
	s8 =	sadd.s32 $0x8CA00, s8  }
.LBB2_1:
0x10: {  	[spmem:s10], [sflag:s6] =	dma.local [hbm:s5], $0x2780  }
0x11: {  	_ =	swait.ge [sflag:s11], $0x2780  }
0x12: {  	[sflag:s11] =	ssyncset.done $0x0  }
0x13: {  	[sflag:s11] =	ssyncadd.s32 $0xFFFFD880  }
0x14: {  	[tilespmem:s4], [sflag:$0x3] =	stream.linear.gather [hbm4b:s7+s4], $0x2780, $0x38;
	[tilespmem:$0x1A400] =	vst v63  }
0x15: {  	_ =	swait.ge [sflag:s11], $0x2780  }
0x16: {  	[sflag:s11] =	ssyncset.done $0x0  }
0x17: {  	[sflag:s11] =	ssyncadd.s32 $0xFFFFD880  }
0x18: {  	[tilespmem:s12], [sflag:$0x3] =	stream.linear.gather [hbm4b:s2+s4], $0x4000, $0x38;
	[tilespmem:$0x1A400] =	vst v63  }
0x19: {  	_ =	swait.ge [sflag:s11], $0x4000  }
0x1a: {  	[sflag:s11] =	ssyncset.done $0x0  }
0x1b: {  	[sflag:s11] =	ssyncadd.s32 $0xFFFFC000  }
0x1c: {  	[bflag:$0x0] =	sbarrier.arrive $0xFFFF  }
0x1d: {  	[spmem:s3] =	stream.indirect.scatter.add.f32 [tilespmem:s12], [sflag:$0x1], $0x80, s4, s13, $0xb8;
	[tilespmem:$0x1A400] =	vst v63  }
0x1e: {  	s17 =	simm.s32 $0x80  }
0x1f: {  	[spmem:s3] =	stream.indirect.scatter.add.f32 [tilespmem:s12], [sflag:$0x2], $0x80, s17, s13, $0xb8;
	[tilespmem:$0x1A400] =	vst v63  }
0x20: {  	_ =	swait.ge [sflag:s14], $0x4000  }
0x21: {  	[sflag:s14] =	ssyncset.done $0x0  }
0x22: {  	s31 =	simm.s32 $0x100;
	[sflag:s14] =	ssyncadd.s32 $0xFFFFC000  }
0x23: {  	[spmem:s3] =	stream.indirect.scatter.add.f32 [tilespmem:s12], [sflag:$0x1], $0x80, s31, s13, $0xb8;
	[tilespmem:$0x1A400] =	vst v63  }
0x24: {  	_ =	swait.ge [sflag:s15], $0x4000  }
0x25: {  	s18 =	simm.s32 $0xFFFF6C00;
	s17 =	simm.s32 $0xFFFFDA00;
	[sflag:s15] =	ssyncset.done $0x0  }
.LBB2_2:
0x26: {  	s19 =	sadd.s32 $0x2780, s17  }
0x27: {  	[sflag:s15] =	ssyncadd.s32 $0xFFFFC000;
	s20 =	smov.u32 s18;
	s21 =	sadd.s32 $0x400, s18  }
0x28: {  	[spmem:s3] =	stream.indirect.scatter.add.f32 [tilespmem:s12], [sflag:$0x2], $0x80, s19, s13, $0xb8;
	[tilespmem:$0x1A400] =	vst v63  }
0x29: {  	p0 =	sne.s32 s18, $0xFFFFFC00;
	_ =	swait.ge [sflag:s14], $0x4000  }
.Ltmp0:
0x2a: {  	[sflag:s14] =	ssyncset.done $0x0;
	(pc) =	sbr.rel @p0 .LBB2_2-.Ltmp0, $4  }
0x2b: {  	s17 =	sadd.s32 $0x2800, s17;
	[sflag:s14] =	ssyncadd.s32 $0xFFFFC000  }
0x2c: {  	[spmem:s3] =	stream.indirect.scatter.add.f32 [tilespmem:s12], [sflag:$0x1], $0x80, s17, s13, $0xb8;
	[tilespmem:$0x1A400] =	vst v63  }
0x2d: {  	_ =	swait.ge [sflag:s15], $0x4000  }
0x2e: {  	s18 =	smov.u32 s21;
	s17 =	sshra.s32 s20, $0x2;
	[sflag:s15] =	ssyncset.done $0x0  }
0x2f: {  	s18 =	sadd.s32 $0x2780, s17;
	[sflag:s15] =	ssyncadd.s32 $0xFFFFC000  }
0x30: {  	[spmem:s3] =	stream.indirect.scatter.add.f32 [tilespmem:s12], [sflag:$0x2], $0x80, s18, s13, $0xb8;
	[tilespmem:$0x1A400] =	vst v63  }
0x31: {  	_ =	swait.ge [sflag:s14], $0x4000  }
0x32: {  	[sflag:s14] =	ssyncset.done $0x0  }
0x33: {  	s31 =	sadd.s32 $0x2800, s17;
	[sflag:s14] =	ssyncadd.s32 $0xFFFFC000  }
0x34: {  	[spmem:s3] =	stream.indirect.scatter.add.f32 [tilespmem:s12], [sflag:$0x1], $0x80, s31, s13, $0xb8;
	[tilespmem:$0x1A400] =	vst v63  }
0x35: {  	_ =	swait.ge [sflag:s15], $0x4000  }
0x36: {  	[sflag:s15] =	ssyncset.done $0x0  }
0x37: {  	[sflag:s15] =	ssyncadd.s32 $0xFFFFC000  }
0x38: {  	_ =	swait.ge [sflag:s14], $0x4000  }
0x39: {  	s16 =	sadd.s32 $0x1, s16;
	[sflag:s14] =	ssyncset.done $0x0  }
0x3a: {  	p0 =	sne.s32 s16, s9;
	[sflag:s14] =	ssyncadd.s32 $0xFFFFC000  }
.Ltmp1:
0x3b: {  	[bflag:$0x0] =	sbarrier.arrive $0xFFFF;
	(pc) =	sbr.rel @p0 .LBB2_1-.Ltmp1, $4  }
0x3c: {  	[hbm:s8], [sflag:s6] =	dma.local [spmem:s10], $0x2780  }
0x3d: {  	_ =	swait.ge [sflag:s11], $0x2780  }
0x3e: {  	[sflag:s11] =	ssyncset.done $0x0  }
0x3f: {  	[sflag:s11] =	ssyncadd.s32 $0xFFFFD880  }
0x40: {  	_ =	sfence.sel $0x180000  }
0x41: {  	[bflag:$0x0] =	sbarrier.arrive $0xFFFF  }
0x42: {  	p0 =	sne.s32 s0, $0x0;
	_ =	strace $0x9000004A  }
0x43: {  	s0 =	sadd.s32 @!p0 $0x100000, s1;
	[bflag:$0x2] =	sbarrier.arrive $0xFFFF  }
0x44: {  	[sflag:s0] =	ssyncadd.tile.s32 @!p0 $0x1;
	_ =	shalt  }
.Lfunc_end2:
_tile_overlayer_lowered:
.L_overlay_start_2:
0x45: {  	(tag) =	ssettag $0x2  }
0x46: {  	s0 =	rddreg [dreg:$0x0];
	s2 =	stileid.u32  }
0x47: {  	s1 =	rddreg [dreg:$0x1];
	p0 =	sne.s32 s2, $0x0  }
0x48: {  	s3 =	rddreg [dreg:$0x2];
	[bflag:$0x3] =	sbarrier.arrive $0xFFFF;
	s2 =	simm.s32 @!p0 $0x1C03  }
0x49: {  	[timem:s3], [sflag:s2] =	dma.local @!p0 [hbm:s0], s1  }
0x4a: {  	s0 =	simm.s32 @!p0 $0x3  }
0x4b: {  	_ =	swait.ge @!p0 [sflag:s0], s1  }
0x4c: {  	s1 =	ssub.s32 @!p0 $0x0, s1;
	[sflag:s0] =	ssyncset.done @!p0 $0x0  }
0x4d: {  	[sflag:s0] =	ssyncadd.s32 @!p0 s1  }
0x4e: {  	[bflag:$0x3] =	sbarrier.arrive $0xFFFF  }
0x4f: {  	_ =	shalt  }

</sc_bundles>
